<compile_context>
chip_gen: v7x
topology: tpu7x:2x2x1
jax: 0.10.2.dev20260603
libtpu: 0.0.44.dev20260713+nightly
codegen_flags: <defaults>
</compile_context>

<pallas_src>
import jax
import jax.numpy as jnp
import numpy as np
from jax import lax
from jax.experimental import pallas as pl
from jax.experimental.pallas import tpu as pltpu
from jax.experimental.pallas import tpu_sc as plsc

_ROWS = 4096
_NK = 64
_IDXC = [7 + 1563 * j for j in range(_NK)]

_NW = 32
_SC_ROWS = 2048
_RB = _SC_ROWS // _NW
_GR = 32
_NG = _RB // _GR
_NSTEP = _NK * _NG
_RING = 24


def _sc_body(x_hbm, out_hbm, idx_v, chunk_v, out_v, sems):
    wid = lax.axis_index("s") * 2 + lax.axis_index("c")
    r0 = wid * _RB
    iota = lax.iota(jnp.int32, 16)
    for k in range(_RB // 16):
        idx_v[pl.ds(16 * k, 16)] = r0 + 16 * k + iota

    def _copy_args(step, slot):
        j = step // _NG
        g = step - j * _NG
        col = 7 + 1563 * j
        c0 = pl.multiple_of((col // 128) * 128, 128)
        view = x_hbm.at[:, pl.ds(c0, 128)]
        src = view.at[idx_v.at[pl.ds(g * _GR, _GR)]]
        return src, chunk_v.at[slot], sems.at[slot]

    def fire(step, slot):
        src, dst, sem = _copy_args(step, slot)
        pltpu.async_copy(src, dst, sem)

    def drain(step, slot):
        src, dst, sem = _copy_args(step, slot)
        pltpu.make_async_copy(src, dst, sem).wait()

    def compact(step, slot):
        j = step // _NG
        g = step - j * _NG
        col = 7 + 1563 * j
        lane = col % 128
        lanes = jnp.full((16,), lane, jnp.int32)
        for k in range(_GR // 16):
            rows = 16 * k + iota
            vals = plsc.load_gather(chunk_v.at[slot], [rows, lanes])
            out_v[j, pl.ds(g * _GR + 16 * k, 16)] = vals

    def prime(step, carry):
        fire(step, step)
        return carry

    lax.fori_loop(0, _RING, prime, 0)

    def steady(step, carry):
        slot = lax.rem(step, _RING)
        drain(step, slot)
        compact(step, slot)

        @pl.when(step + _RING < _NSTEP)
        def _():
            fire(step + _RING, slot)

        return carry

    lax.fori_loop(0, _NSTEP, steady, 0)
    pltpu.sync_copy(out_v, out_hbm.at[wid])


def _sc_half(X):
    mesh = plsc.VectorSubcoreMesh(
        core_axis_name="c", subcore_axis_name="s", num_cores=2, num_subcores=16
    )
    out = pl.kernel(
        _sc_body,
        out_type=jax.ShapeDtypeStruct((_NW, _NK, _RB), jnp.float32),
        mesh=mesh,
        compiler_params=pltpu.CompilerParams(needs_layout_passes=False),
        scratch_types=[
            pltpu.VMEM((_RB,), jnp.int32),
            pltpu.VMEM((_RING, _GR, 128), jnp.float32),
            pltpu.VMEM((_NK, _RB), jnp.float32),
            pltpu.SemaphoreType.DMA((_RING,)),
        ],
    )(X)
    return out.transpose(0, 2, 1).reshape(_SC_ROWS, _NK)


_TC_RB = 256
_TC_GRID = (_ROWS - _SC_ROWS) // _TC_RB
_TC_OFF = _SC_ROWS // _TC_RB
_TCJ = [c // 128 for c in _IDXC]
_S = np.zeros((_NK, 128, _NK), dtype=np.float32)
for _j in range(_NK):
    _S[_j, _IDXC[_j] % 128, _j] = 1.0
_S = _S.reshape(_NK * 128, _NK)


def _tc_body(*refs):
    x_refs = refs[:_NK]
    s_ref, o_ref = refs[_NK], refs[_NK + 1]
    cat = jnp.concatenate([r[...] for r in x_refs], axis=1)
    o_ref[...] = jax.lax.dot_general(
        cat, s_ref[...], (((1,), (0,)), ((), ())),
        preferred_element_type=jnp.float32,
    )


def _tc_half(X):
    in_specs = [
        pl.BlockSpec((_TC_RB, 128), lambda w, _t=int(t): (w + _TC_OFF, _t))
        for t in _TCJ
    ] + [pl.BlockSpec((_NK * 128, _NK), lambda w: (0, 0))]
    return pl.pallas_call(
        _tc_body,
        grid=(_TC_GRID,),
        in_specs=in_specs,
        out_specs=pl.BlockSpec((_TC_RB, _NK), lambda w: (w, 0)),
        out_shape=jax.ShapeDtypeStruct((_ROWS - _SC_ROWS, _NK), jnp.float32),
    )(*([X] * _NK), jnp.asarray(_S))


@jax.jit
def kernel(X):
    return jnp.concatenate([_sc_half(X), _tc_half(X)], axis=0)

# --- scband reference (transcript-rebuilt; emitter-appended) ---
"""Pipeline reference for scband-subset-53609781788950 (READ-ONLY COPY).

The authoritative reference and input builder live on the scoring server;
editing this copy changes nothing except your own understanding.
"""

import jax, jax.numpy as jnp
import numpy as np

INDEXES = jnp.array([7, 1570, 3133, 4696, 6259, 7822, 9385, 10948, 12511, 14074, 15637, 17200, 18763, 20326, 21889, 23452, 25015, 26578, 28141, 29704, 31267, 32830, 34393, 35956, 37519, 39082, 40645, 42208, 43771, 45334, 46897, 48460, 50023, 51586, 53149, 54712, 56275, 57838, 59401, 60964, 62527, 64090, 65653, 67216, 68779, 70342, 71905, 73468, 75031, 76594, 78157, 79720, 81283, 82846, 84409, 85972, 87535, 89098, 90661, 92224, 93787, 95350, 96913, 98476], dtype=jnp.int32)


def setup_inputs(seed: int = 0) -> dict:
    key = jax.random.key(seed)
    X = jax.random.normal(key, (4096, 100000), dtype=jnp.float32)
    return {"X": X}


def reference(X):
    # Subset.forward: X[:, indexes] -> gather along axis 1
    return jnp.take(X, INDEXES, axis=1)

if __name__ == "__main__":
    import jax
    _d = setup_inputs()
    print(jax.jit(kernel)(*tuple(_d.values())))

</pallas_src>

<mosaic_0001>
#map = affine_map<(d0, d1) -> (0, 0)>
#map1 = affine_map<(d0, d1) -> (0, 0, 0)>
module attributes {stable_mosaic.version = 14 : i64} {
  func.func @_sc_body(%arg0: i32, %arg1: i32, %arg2: memref<4096x100000xf32, #tpu.memory_space<hbm>>, %arg3: memref<32x64x64xf32, #tpu.memory_space<hbm>>, %arg4: memref<64xi32, #tpu.memory_space<vmem>>, %arg5: memref<24x32x128xf32, #tpu.memory_space<vmem>>, %arg6: memref<64x64xf32, #tpu.memory_space<vmem>>, %arg7: memref<24x!tpu.dma_semaphore, #tpu.memory_space<semaphore_mem>>) attributes {dimension_semantics = [#tpu.dimension_semantics<core_parallel>, #tpu.dimension_semantics<subcore_parallel>], iteration_bounds = array<i64: 2, 16>, scalar_prefetch = 0 : i64, scratch_operands = 4 : i64, tpu.core_type = #tpu.core_type<sc_vector_subcore>, window_params = [{transform_indices = #map}, {transform_indices = #map1}]} {
    %mul3A = arith.constant 2 : i32
    %mul3A_0 = arith.muli %arg1, %mul3A : i32
    %add3A = arith.addi %mul3A_0, %arg0 : i32
    %mul3A_1 = arith.constant 64 : i32
    %mul3A_2 = arith.muli %add3A, %mul3A_1 : i32
    %iota3A = tpu.iota {dimensions = array<i32: 0>} : vector<16xi32>
    %add3A_3 = arith.constant 0 : i32
    %add3A_4 = arith.addi %mul3A_2, %add3A_3 : i32
    %add3A_5 = vector.broadcast %add3A_4 : i32 to vector<16xi32>
    %add3A_6 = arith.addi %add3A_5, %iota3A : vector<16xi32>
    %swap3A = arith.constant 0 : index
    %swap3A_7 = tpu.vector_load %arg4[%swap3A] {strides = array<i32>} : memref<64xi32, #tpu.memory_space<vmem>>, vector<16xi32>,
    tpu.vector_store %arg4[%swap3A], %add3A_6 {strides = array<i32>} : memref<64xi32, #tpu.memory_space<vmem>>, vector<16xi32>,
    %add3A_8 = arith.constant 16 : i32
    %add3A_9 = arith.addi %mul3A_2, %add3A_8 : i32
    %add3A_10 = vector.broadcast %add3A_9 : i32 to vector<16xi32>
    %add3A_11 = arith.addi %add3A_10, %iota3A : vector<16xi32>
    %swap3A_12 = arith.constant 16 : index
    %swap3A_13 = tpu.vector_load %arg4[%swap3A_12] {strides = array<i32>} : memref<64xi32, #tpu.memory_space<vmem>>, vector<16xi32>,
    tpu.vector_store %arg4[%swap3A_12], %add3A_11 {strides = array<i32>} : memref<64xi32, #tpu.memory_space<vmem>>, vector<16xi32>,
    %add3A_14 = arith.constant 32 : i32
    %add3A_15 = arith.addi %mul3A_2, %add3A_14 : i32
    %add3A_16 = vector.broadcast %add3A_15 : i32 to vector<16xi32>
    %add3A_17 = arith.addi %add3A_16, %iota3A : vector<16xi32>
    %swap3A_18 = arith.constant 32 : index
    %swap3A_19 = tpu.vector_load %arg4[%swap3A_18] {strides = array<i32>} : memref<64xi32, #tpu.memory_space<vmem>>, vector<16xi32>,
    tpu.vector_store %arg4[%swap3A_18], %add3A_17 {strides = array<i32>} : memref<64xi32, #tpu.memory_space<vmem>>, vector<16xi32>,
    %add3A_20 = arith.constant 48 : i32
    %add3A_21 = arith.addi %mul3A_2, %add3A_20 : i32
    %add3A_22 = vector.broadcast %add3A_21 : i32 to vector<16xi32>
    %add3A_23 = arith.addi %add3A_22, %iota3A : vector<16xi32>
    %swap3A_24 = arith.constant 48 : index
    %swap3A_25 = tpu.vector_load %arg4[%swap3A_24] {strides = array<i32>} : memref<64xi32, #tpu.memory_space<vmem>>, vector<16xi32>,
    tpu.vector_store %arg4[%swap3A_24], %add3A_23 {strides = array<i32>} : memref<64xi32, #tpu.memory_space<vmem>>, vector<16xi32>,
    %scan3A = arith.constant 0 : i32
    %scan3A_26 = arith.constant 0 : i32
    %scan3A_27 = arith.constant 24 : i32
    %scan3A_28 = arith.addi %scan3A_26, %scan3A_27 : i32
    %scan3A_29 = arith.constant 1 : i32
    scf.for %scan3A_37 = %scan3A_26 to %scan3A_28 step %scan3A_29  : i32 {
      %jit3A = arith.constant 2 : i32
      %div3A = arith.divsi %scan3A_37, %jit3A : i32
      %sign3A = arith.constant 0 : i32
      %sign3A_38 = arith.cmpi sgt, %scan3A_37, %sign3A : i32
      %sign3A_39 = arith.extui %sign3A_38 : i1 to i32
      %sign3A_40 = arith.constant 0 : i32
      %sign3A_41 = arith.cmpi slt, %scan3A_37, %sign3A_40 : i32
      %sign3A_42 = arith.extui %sign3A_41 : i1 to i32
      %sign3A_43 = arith.subi %sign3A_39, %sign3A_42 : i32
      %sign3A_44 = arith.constant 0 : i32
      %sign3A_45 = arith.cmpi sgt, %jit3A, %sign3A_44 : i32
      %sign3A_46 = arith.extui %sign3A_45 : i1 to i32
      %sign3A_47 = arith.constant 0 : i32
      %sign3A_48 = arith.cmpi slt, %jit3A, %sign3A_47 : i32
      %sign3A_49 = arith.extui %sign3A_48 : i1 to i32
      %sign3A_50 = arith.subi %sign3A_46, %sign3A_49 : i32
      %ne3A = arith.cmpi ne, %sign3A_43, %sign3A_50 : i32
      %rem3A = arith.remsi %scan3A_37, %jit3A : i32
      %ne3A_51 = arith.constant 0 : i32
      %ne3A_52 = arith.cmpi ne, %rem3A, %ne3A_51 : i32
      %and3A = arith.andi %ne3A, %ne3A_52 : i1
      %sub3A = arith.constant 1 : i32
      %sub3A_53 = arith.subi %div3A, %sub3A : i32
      %select_n3A = arith.select %and3A, %sub3A_53, %div3A : i32
      %mul3A_54 = arith.constant 2 : i32
      %mul3A_55 = arith.muli %select_n3A, %mul3A_54 : i32
      %sub3A_56 = arith.subi %scan3A_37, %mul3A_55 : i32
      %mul3A_57 = arith.constant 1563 : i32
      %mul3A_58 = arith.muli %mul3A_57, %select_n3A : i32
      %add3A_59 = arith.constant 7 : i32
      %add3A_60 = arith.addi %add3A_59, %mul3A_58 : i32
      %jit3A_61 = arith.constant 128 : i32
      %div3A_62 = arith.divsi %add3A_60, %jit3A_61 : i32
      %sign3A_63 = arith.constant 0 : i32
      %sign3A_64 = arith.cmpi sgt, %add3A_60, %sign3A_63 : i32
      %sign3A_65 = arith.extui %sign3A_64 : i1 to i32
      %sign3A_66 = arith.constant 0 : i32
      %sign3A_67 = arith.cmpi slt, %add3A_60, %sign3A_66 : i32
      %sign3A_68 = arith.extui %sign3A_67 : i1 to i32
      %sign3A_69 = arith.subi %sign3A_65, %sign3A_68 : i32
      %sign3A_70 = arith.constant 0 : i32
      %sign3A_71 = arith.cmpi sgt, %jit3A_61, %sign3A_70 : i32
      %sign3A_72 = arith.extui %sign3A_71 : i1 to i32
      %sign3A_73 = arith.constant 0 : i32
      %sign3A_74 = arith.cmpi slt, %jit3A_61, %sign3A_73 : i32
      %sign3A_75 = arith.extui %sign3A_74 : i1 to i32
      %sign3A_76 = arith.subi %sign3A_72, %sign3A_75 : i32
      %ne3A_77 = arith.cmpi ne, %sign3A_69, %sign3A_76 : i32
      %rem3A_78 = arith.remsi %add3A_60, %jit3A_61 : i32
      %ne3A_79 = arith.constant 0 : i32
      %ne3A_80 = arith.cmpi ne, %rem3A_78, %ne3A_79 : i32
      %and3A_81 = arith.andi %ne3A_77, %ne3A_80 : i1
      %sub3A_82 = arith.constant 1 : i32
      %sub3A_83 = arith.subi %div3A_62, %sub3A_82 : i32
      %select_n3A_84 = arith.select %and3A_81, %sub3A_83, %div3A_62 : i32
      %mul3A_85 = arith.constant 128 : i32
      %mul3A_86 = arith.muli %select_n3A_84, %mul3A_85 : i32
      %multiple_of3A = tpu.assume_multiple %mul3A_86, 128 : i32
      %mul3A_87 = arith.constant 32 : i32
      %mul3A_88 = arith.muli %sub3A_56, %mul3A_87 : i32
      %dma_start3A = arith.constant 0 : i32
      %dma_start3A_89 = arith.constant 0 : i32
      %dma_start3A_90 = tpu.memref_slice %arg5[%scan3A_37, %dma_start3A, %dma_start3A_89] : memref<24x32x128xf32, #tpu.memory_space<vmem>> -> memref<1x32x128xf32, #tpu.memory_space<vmem>>
      %dma_start3A_91 = tpu.memref_squeeze %dma_start3A_90 : memref<1x32x128xf32, #tpu.memory_space<vmem>> -> memref<32x128xf32, #tpu.memory_space<vmem>>
      %dma_start3A_92 = tpu.memref_slice %arg4[%mul3A_88] : memref<64xi32, #tpu.memory_space<vmem>> -> memref<32xi32, #tpu.memory_space<vmem>>
      %dma_start3A_93 = arith.constant 0 : i32
      %dma_start3A_94 = tpu.memref_slice %arg2[%dma_start3A_93, %multiple_of3A] : memref<4096x100000xf32, #tpu.memory_space<hbm>> -> memref<4096x128xf32, #tpu.memory_space<hbm>>
      %dma_start3A_95 = arith.constant 0 : i32
      %dma_start3A_96 = arith.constant 0 : i32
      %dma_start3A_97 = tpu.memref_slice %dma_start3A_94[%dma_start3A_95, %dma_start3A_96] : memref<4096x128xf32, #tpu.memory_space<hbm>> -> memref<4096x128xf32, #tpu.memory_space<hbm>>
      %dma_start3A_98 = tpu.memref_slice %arg7[%scan3A_37] : memref<24x!tpu.dma_semaphore, #tpu.memory_space<semaphore_mem>> -> memref<1x!tpu.dma_semaphore, #tpu.memory_space<semaphore_mem>>
      %dma_start3A_99 = tpu.memref_squeeze %dma_start3A_98 : memref<1x!tpu.dma_semaphore, #tpu.memory_space<semaphore_mem>> -> memref<!tpu.dma_semaphore, #tpu.memory_space<semaphore_mem>>
      tpu.enqueue_indirect_dma source(%dma_start3A_97 : memref<4096x128xf32, #tpu.memory_space<hbm>>) target(%dma_start3A_91 : memref<32x128xf32, #tpu.memory_space<vmem>>) offsets(%dma_start3A_92 : memref<32xi32, #tpu.memory_space<vmem>>) semaphore(%dma_start3A_99 : memref<!tpu.dma_semaphore, #tpu.memory_space<semaphore_mem>>)
    }
    %scan3A_30 = arith.constant 24 : i32
    %scan3A_31 = arith.constant 0 : i32
    %scan3A_32 = arith.constant 0 : i32
    %scan3A_33 = arith.constant 128 : i32
    %scan3A_34 = arith.addi %scan3A_32, %scan3A_33 : i32
    %scan3A_35 = arith.constant 1 : i32
    scf.for %scan3A_37 = %scan3A_32 to %scan3A_34 step %scan3A_35  : i32 {
      %rem3A = arith.constant 24 : i32
      %rem3A_38 = arith.remsi %scan3A_37, %rem3A : i32
      %jit3A = arith.constant 2 : i32
      %div3A = arith.divsi %scan3A_37, %jit3A : i32
      %sign3A = arith.constant 0 : i32
      %sign3A_39 = arith.cmpi sgt, %scan3A_37, %sign3A : i32
      %sign3A_40 = arith.extui %sign3A_39 : i1 to i32
      %sign3A_41 = arith.constant 0 : i32
      %sign3A_42 = arith.cmpi slt, %scan3A_37, %sign3A_41 : i32
      %sign3A_43 = arith.extui %sign3A_42 : i1 to i32
      %sign3A_44 = arith.subi %sign3A_40, %sign3A_43 : i32
      %sign3A_45 = arith.constant 0 : i32
      %sign3A_46 = arith.cmpi sgt, %jit3A, %sign3A_45 : i32
      %sign3A_47 = arith.extui %sign3A_46 : i1 to i32
      %sign3A_48 = arith.constant 0 : i32
      %sign3A_49 = arith.cmpi slt, %jit3A, %sign3A_48 : i32
      %sign3A_50 = arith.extui %sign3A_49 : i1 to i32
      %sign3A_51 = arith.subi %sign3A_47, %sign3A_50 : i32
      %ne3A = arith.cmpi ne, %sign3A_44, %sign3A_51 : i32
      %rem3A_52 = arith.remsi %scan3A_37, %jit3A : i32
      %ne3A_53 = arith.constant 0 : i32
      %ne3A_54 = arith.cmpi ne, %rem3A_52, %ne3A_53 : i32
      %and3A = arith.andi %ne3A, %ne3A_54 : i1
      %sub3A = arith.constant 1 : i32
      %sub3A_55 = arith.subi %div3A, %sub3A : i32
      %select_n3A = arith.select %and3A, %sub3A_55, %div3A : i32
      %mul3A_56 = arith.constant 2 : i32
      %mul3A_57 = arith.muli %select_n3A, %mul3A_56 : i32
      %sub3A_58 = arith.subi %scan3A_37, %mul3A_57 : i32
      %mul3A_59 = arith.constant 1563 : i32
      %mul3A_60 = arith.muli %mul3A_59, %select_n3A : i32
      %add3A_61 = arith.constant 7 : i32
      %add3A_62 = arith.addi %add3A_61, %mul3A_60 : i32
      %jit3A_63 = arith.constant 128 : i32
      %div3A_64 = arith.divsi %add3A_62, %jit3A_63 : i32
      %sign3A_65 = arith.constant 0 : i32
      %sign3A_66 = arith.cmpi sgt, %add3A_62, %sign3A_65 : i32
      %sign3A_67 = arith.extui %sign3A_66 : i1 to i32
      %sign3A_68 = arith.constant 0 : i32
      %sign3A_69 = arith.cmpi slt, %add3A_62, %sign3A_68 : i32
      %sign3A_70 = arith.extui %sign3A_69 : i1 to i32
      %sign3A_71 = arith.subi %sign3A_67, %sign3A_70 : i32
      %sign3A_72 = arith.constant 0 : i32
      %sign3A_73 = arith.cmpi sgt, %jit3A_63, %sign3A_72 : i32
      %sign3A_74 = arith.extui %sign3A_73 : i1 to i32
      %sign3A_75 = arith.constant 0 : i32
      %sign3A_76 = arith.cmpi slt, %jit3A_63, %sign3A_75 : i32
      %sign3A_77 = arith.extui %sign3A_76 : i1 to i32
      %sign3A_78 = arith.subi %sign3A_74, %sign3A_77 : i32
      %ne3A_79 = arith.cmpi ne, %sign3A_71, %sign3A_78 : i32
      %rem3A_80 = arith.remsi %add3A_62, %jit3A_63 : i32
      %ne3A_81 = arith.constant 0 : i32
      %ne3A_82 = arith.cmpi ne, %rem3A_80, %ne3A_81 : i32
      %and3A_83 = arith.andi %ne3A_79, %ne3A_82 : i1
      %sub3A_84 = arith.constant 1 : i32
      %sub3A_85 = arith.subi %div3A_64, %sub3A_84 : i32
      %select_n3A_86 = arith.select %and3A_83, %sub3A_85, %div3A_64 : i32
      %mul3A_87 = arith.constant 128 : i32
      %mul3A_88 = arith.muli %select_n3A_86, %mul3A_87 : i32
      %multiple_of3A = tpu.assume_multiple %mul3A_88, 128 : i32
      %mul3A_89 = arith.constant 32 : i32
      %mul3A_90 = arith.muli %sub3A_58, %mul3A_89 : i32
      %dma_wait3A = arith.constant 0 : i32
      %dma_wait3A_91 = arith.constant 0 : i32
      %dma_wait3A_92 = tpu.memref_slice %arg5[%rem3A_38, %dma_wait3A, %dma_wait3A_91] : memref<24x32x128xf32, #tpu.memory_space<vmem>> -> memref<1x32x128xf32, #tpu.memory_space<vmem>>
      %dma_wait3A_93 = tpu.memref_squeeze %dma_wait3A_92 : memref<1x32x128xf32, #tpu.memory_space<vmem>> -> memref<32x128xf32, #tpu.memory_space<vmem>>
      %dma_wait3A_94 = tpu.memref_slice %arg4[%mul3A_90] : memref<64xi32, #tpu.memory_space<vmem>> -> memref<32xi32, #tpu.memory_space<vmem>>
      %dma_wait3A_95 = arith.constant 0 : i32
      %dma_wait3A_96 = tpu.memref_slice %arg2[%dma_wait3A_95, %multiple_of3A] : memref<4096x100000xf32, #tpu.memory_space<hbm>> -> memref<4096x128xf32, #tpu.memory_space<hbm>>
      %dma_wait3A_97 = arith.constant 0 : i32
      %dma_wait3A_98 = arith.constant 0 : i32
      %dma_wait3A_99 = tpu.memref_slice %dma_wait3A_96[%dma_wait3A_97, %dma_wait3A_98] : memref<4096x128xf32, #tpu.memory_space<hbm>> -> memref<4096x128xf32, #tpu.memory_space<hbm>>
      %dma_wait3A_100 = tpu.memref_slice %arg7[%rem3A_38] : memref<24x!tpu.dma_semaphore, #tpu.memory_space<semaphore_mem>> -> memref<1x!tpu.dma_semaphore, #tpu.memory_space<semaphore_mem>>
      %dma_wait3A_101 = tpu.memref_squeeze %dma_wait3A_100 : memref<1x!tpu.dma_semaphore, #tpu.memory_space<semaphore_mem>> -> memref<!tpu.dma_semaphore, #tpu.memory_space<semaphore_mem>>
      tpu.wait_indirect_dma semaphore(%dma_wait3A_101 : memref<!tpu.dma_semaphore, #tpu.memory_space<semaphore_mem>>) src(%dma_wait3A_99 : memref<4096x128xf32, #tpu.memory_space<hbm>>) dst(%dma_wait3A_93 : memref<32x128xf32, #tpu.memory_space<vmem>>)
      %jit3A_102 = arith.constant 2 : i32
      %div3A_103 = arith.divsi %scan3A_37, %jit3A_102 : i32
      %sign3A_104 = arith.constant 0 : i32
      %sign3A_105 = arith.cmpi sgt, %scan3A_37, %sign3A_104 : i32
      %sign3A_106 = arith.extui %sign3A_105 : i1 to i32
      %sign3A_107 = arith.constant 0 : i32
      %sign3A_108 = arith.cmpi slt, %scan3A_37, %sign3A_107 : i32
      %sign3A_109 = arith.extui %sign3A_108 : i1 to i32
      %sign3A_110 = arith.subi %sign3A_106, %sign3A_109 : i32
      %sign3A_111 = arith.constant 0 : i32
      %sign3A_112 = arith.cmpi sgt, %jit3A_102, %sign3A_111 : i32
      %sign3A_113 = arith.extui %sign3A_112 : i1 to i32
      %sign3A_114 = arith.constant 0 : i32
      %sign3A_115 = arith.cmpi slt, %jit3A_102, %sign3A_114 : i32
      %sign3A_116 = arith.extui %sign3A_115 : i1 to i32
      %sign3A_117 = arith.subi %sign3A_113, %sign3A_116 : i32
      %ne3A_118 = arith.cmpi ne, %sign3A_110, %sign3A_117 : i32
      %rem3A_119 = arith.remsi %scan3A_37, %jit3A_102 : i32
      %ne3A_120 = arith.constant 0 : i32
      %ne3A_121 = arith.cmpi ne, %rem3A_119, %ne3A_120 : i32
      %and3A_122 = arith.andi %ne3A_118, %ne3A_121 : i1
      %sub3A_123 = arith.constant 1 : i32
      %sub3A_124 = arith.subi %div3A_103, %sub3A_123 : i32
      %select_n3A_125 = arith.select %and3A_122, %sub3A_124, %div3A_103 : i32
      %mul3A_126 = arith.constant 2 : i32
      %mul3A_127 = arith.muli %select_n3A_125, %mul3A_126 : i32
      %sub3A_128 = arith.subi %scan3A_37, %mul3A_127 : i32
      %mul3A_129 = arith.constant 1563 : i32
      %mul3A_130 = arith.muli %mul3A_129, %select_n3A_125 : i32
      %add3A_131 = arith.constant 7 : i32
      %add3A_132 = arith.addi %add3A_131, %mul3A_130 : i32
      %jit3A_133 = arith.constant 128 : i32
      %eq3A = arith.constant 0 : i32
      %eq3A_134 = arith.cmpi eq, %jit3A_133, %eq3A : i32
      %jit3A_135 = arith.constant 1 : i32
      %select_n3A_136 = arith.select %eq3A_134, %jit3A_135, %jit3A_133 : i32
      %rem3A_137 = arith.remsi %add3A_132, %select_n3A_136 : i32
      %ne3A_138 = arith.constant 0 : i32
      %ne3A_139 = arith.cmpi ne, %rem3A_137, %ne3A_138 : i32
      %lt3A = arith.constant 0 : i32
      %lt3A_140 = arith.cmpi slt, %rem3A_137, %lt3A : i32
      %lt3A_141 = arith.constant 0 : i32
      %lt3A_142 = arith.cmpi slt, %select_n3A_136, %lt3A_141 : i32
      %ne3A_143 = arith.xori %lt3A_140, %lt3A_142 : i1
      %and3A_144 = arith.andi %ne3A_143, %ne3A_139 : i1
      %add3A_145 = arith.addi %rem3A_137, %select_n3A_136 : i32
      %select_n3A_146 = arith.select %and3A_144, %add3A_145, %rem3A_137 : i32
      %broadcast_in_dim3A = vector.broadcast %select_n3A_146 : i32 to vector<16xi32>
      %add3A_147 = arith.constant 0 : i32
      %add3A_148 = vector.broadcast %add3A_147 : i32 to vector<16xi32>
      %add3A_149 = arith.addi %add3A_148, %iota3A : vector<16xi32>
      %gather3A = arith.constant 0 : i32
      %gather3A_150 = arith.constant 0 : i32
      %gather3A_151 = tpu.memref_slice %arg5[%rem3A_38, %gather3A, %gather3A_150] : memref<24x32x128xf32, #tpu.memory_space<vmem>> -> memref<1x32x128xf32, #tpu.memory_space<vmem>>
      %gather3A_152 = tpu.memref_squeeze %gather3A_151 : memref<1x32x128xf32, #tpu.memory_space<vmem>> -> memref<32x128xf32, #tpu.memory_space<vmem>>
      %gather3A_153 = tpu.vector_load_idx %gather3A_152[%add3A_149, %broadcast_in_dim3A] : memref<32x128xf32, #tpu.memory_space<vmem>>[vector<16xi32>, vector<16xi32>], vector<16xf32>,
      %mul3A_154 = arith.constant 32 : i32
      %mul3A_155 = arith.muli %sub3A_128, %mul3A_154 : i32
      %add3A_156 = arith.constant 0 : i32
      %add3A_157 = arith.addi %mul3A_155, %add3A_156 : i32
      %swap3A_158 = arith.index_cast %select_n3A_125 : i32 to index
      %swap3A_159 = arith.index_cast %add3A_157 : i32 to index
      %swap3A_160 = tpu.vector_load %arg6[%swap3A_158, %swap3A_159] {strides = array<i32>} : memref<64x64xf32, #tpu.memory_space<vmem>>, vector<16xf32>,
      tpu.vector_store %arg6[%swap3A_158, %swap3A_159], %gather3A_153 {strides = array<i32>} : memref<64x64xf32, #tpu.memory_space<vmem>>, vector<16xf32>,
      %add3A_161 = arith.constant 16 : i32
      %add3A_162 = vector.broadcast %add3A_161 : i32 to vector<16xi32>
      %add3A_163 = arith.addi %add3A_162, %iota3A : vector<16xi32>
      %gather3A_164 = arith.constant 0 : i32
      %gather3A_165 = arith.constant 0 : i32
      %gather3A_166 = tpu.memref_slice %arg5[%rem3A_38, %gather3A_164, %gather3A_165] : memref<24x32x128xf32, #tpu.memory_space<vmem>> -> memref<1x32x128xf32, #tpu.memory_space<vmem>>
      %gather3A_167 = tpu.memref_squeeze %gather3A_166 : memref<1x32x128xf32, #tpu.memory_space<vmem>> -> memref<32x128xf32, #tpu.memory_space<vmem>>
      %gather3A_168 = tpu.vector_load_idx %gather3A_167[%add3A_163, %broadcast_in_dim3A] : memref<32x128xf32, #tpu.memory_space<vmem>>[vector<16xi32>, vector<16xi32>], vector<16xf32>,
      %mul3A_169 = arith.constant 32 : i32
      %mul3A_170 = arith.muli %sub3A_128, %mul3A_169 : i32
      %add3A_171 = arith.constant 16 : i32
      %add3A_172 = arith.addi %mul3A_170, %add3A_171 : i32
      %swap3A_173 = arith.index_cast %select_n3A_125 : i32 to index
      %swap3A_174 = arith.index_cast %add3A_172 : i32 to index
      %swap3A_175 = tpu.vector_load %arg6[%swap3A_173, %swap3A_174] {strides = array<i32>} : memref<64x64xf32, #tpu.memory_space<vmem>>, vector<16xf32>,
      tpu.vector_store %arg6[%swap3A_173, %swap3A_174], %gather3A_168 {strides = array<i32>} : memref<64x64xf32, #tpu.memory_space<vmem>>, vector<16xf32>,
      %add3A_176 = arith.constant 24 : i32
      %add3A_177 = arith.addi %scan3A_37, %add3A_176 : i32
      %lt3A_178 = arith.constant 128 : i32
      %lt3A_179 = arith.cmpi slt, %add3A_177, %lt3A_178 : i32
      %convert_element_type3A = arith.extui %lt3A_179 : i1 to i32
      %cond3A = arith.constant 0 : i32
      %cond3A_180 = arith.cmpi ne, %convert_element_type3A, %cond3A : i32
      scf.if %cond3A_180 {
        %add3A_181 = arith.constant 24 : i32
        %add3A_182 = arith.addi %scan3A_37, %add3A_181 : i32
        %jit3A_183 = arith.constant 2 : i32
        %div3A_184 = arith.divsi %add3A_182, %jit3A_183 : i32
        %sign3A_185 = arith.constant 0 : i32
        %sign3A_186 = arith.cmpi sgt, %add3A_182, %sign3A_185 : i32
        %sign3A_187 = arith.extui %sign3A_186 : i1 to i32
        %sign3A_188 = arith.constant 0 : i32
        %sign3A_189 = arith.cmpi slt, %add3A_182, %sign3A_188 : i32
        %sign3A_190 = arith.extui %sign3A_189 : i1 to i32
        %sign3A_191 = arith.subi %sign3A_187, %sign3A_190 : i32
        %sign3A_192 = arith.constant 0 : i32
        %sign3A_193 = arith.cmpi sgt, %jit3A_183, %sign3A_192 : i32
        %sign3A_194 = arith.extui %sign3A_193 : i1 to i32
        %sign3A_195 = arith.constant 0 : i32
        %sign3A_196 = arith.cmpi slt, %jit3A_183, %sign3A_195 : i32
        %sign3A_197 = arith.extui %sign3A_196 : i1 to i32
        %sign3A_198 = arith.subi %sign3A_194, %sign3A_197 : i32
        %ne3A_199 = arith.cmpi ne, %sign3A_191, %sign3A_198 : i32
        %rem3A_200 = arith.remsi %add3A_182, %jit3A_183 : i32
        %ne3A_201 = arith.constant 0 : i32
        %ne3A_202 = arith.cmpi ne, %rem3A_200, %ne3A_201 : i32
        %and3A_203 = arith.andi %ne3A_199, %ne3A_202 : i1
        %sub3A_204 = arith.constant 1 : i32
        %sub3A_205 = arith.subi %div3A_184, %sub3A_204 : i32
        %select_n3A_206 = arith.select %and3A_203, %sub3A_205, %div3A_184 : i32
        %mul3A_207 = arith.constant 2 : i32
        %mul3A_208 = arith.muli %select_n3A_206, %mul3A_207 : i32
        %sub3A_209 = arith.subi %add3A_182, %mul3A_208 : i32
        %mul3A_210 = arith.constant 1563 : i32
        %mul3A_211 = arith.muli %mul3A_210, %select_n3A_206 : i32
        %add3A_212 = arith.constant 7 : i32
        %add3A_213 = arith.addi %add3A_212, %mul3A_211 : i32
        %jit3A_214 = arith.constant 128 : i32
        %div3A_215 = arith.divsi %add3A_213, %jit3A_214 : i32
        %sign3A_216 = arith.constant 0 : i32
        %sign3A_217 = arith.cmpi sgt, %add3A_213, %sign3A_216 : i32
        %sign3A_218 = arith.extui %sign3A_217 : i1 to i32
        %sign3A_219 = arith.constant 0 : i32
        %sign3A_220 = arith.cmpi slt, %add3A_213, %sign3A_219 : i32
        %sign3A_221 = arith.extui %sign3A_220 : i1 to i32
        %sign3A_222 = arith.subi %sign3A_218, %sign3A_221 : i32
        %sign3A_223 = arith.constant 0 : i32
        %sign3A_224 = arith.cmpi sgt, %jit3A_214, %sign3A_223 : i32
        %sign3A_225 = arith.extui %sign3A_224 : i1 to i32
        %sign3A_226 = arith.constant 0 : i32
        %sign3A_227 = arith.cmpi slt, %jit3A_214, %sign3A_226 : i32
        %sign3A_228 = arith.extui %sign3A_227 : i1 to i32
        %sign3A_229 = arith.subi %sign3A_225, %sign3A_228 : i32
        %ne3A_230 = arith.cmpi ne, %sign3A_222, %sign3A_229 : i32
        %rem3A_231 = arith.remsi %add3A_213, %jit3A_214 : i32
        %ne3A_232 = arith.constant 0 : i32
        %ne3A_233 = arith.cmpi ne, %rem3A_231, %ne3A_232 : i32
        %and3A_234 = arith.andi %ne3A_230, %ne3A_233 : i1
        %sub3A_235 = arith.constant 1 : i32
        %sub3A_236 = arith.subi %div3A_215, %sub3A_235 : i32
        %select_n3A_237 = arith.select %and3A_234, %sub3A_236, %div3A_215 : i32
        %mul3A_238 = arith.constant 128 : i32
        %mul3A_239 = arith.muli %select_n3A_237, %mul3A_238 : i32
        %multiple_of3A_240 = tpu.assume_multiple %mul3A_239, 128 : i32
        %mul3A_241 = arith.constant 32 : i32
        %mul3A_242 = arith.muli %sub3A_209, %mul3A_241 : i32
        %dma_start3A = arith.constant 0 : i32
        %dma_start3A_243 = arith.constant 0 : i32
        %dma_start3A_244 = tpu.memref_slice %arg5[%rem3A_38, %dma_start3A, %dma_start3A_243] : memref<24x32x128xf32, #tpu.memory_space<vmem>> -> memref<1x32x128xf32, #tpu.memory_space<vmem>>
        %dma_start3A_245 = tpu.memref_squeeze %dma_start3A_244 : memref<1x32x128xf32, #tpu.memory_space<vmem>> -> memref<32x128xf32, #tpu.memory_space<vmem>>
        %dma_start3A_246 = tpu.memref_slice %arg4[%mul3A_242] : memref<64xi32, #tpu.memory_space<vmem>> -> memref<32xi32, #tpu.memory_space<vmem>>
        %dma_start3A_247 = arith.constant 0 : i32
        %dma_start3A_248 = tpu.memref_slice %arg2[%dma_start3A_247, %multiple_of3A_240] : memref<4096x100000xf32, #tpu.memory_space<hbm>> -> memref<4096x128xf32, #tpu.memory_space<hbm>>
        %dma_start3A_249 = arith.constant 0 : i32
        %dma_start3A_250 = arith.constant 0 : i32
        %dma_start3A_251 = tpu.memref_slice %dma_start3A_248[%dma_start3A_249, %dma_start3A_250] : memref<4096x128xf32, #tpu.memory_space<hbm>> -> memref<4096x128xf32, #tpu.memory_space<hbm>>
        %dma_start3A_252 = tpu.memref_slice %arg7[%rem3A_38] : memref<24x!tpu.dma_semaphore, #tpu.memory_space<semaphore_mem>> -> memref<1x!tpu.dma_semaphore, #tpu.memory_space<semaphore_mem>>
        %dma_start3A_253 = tpu.memref_squeeze %dma_start3A_252 : memref<1x!tpu.dma_semaphore, #tpu.memory_space<semaphore_mem>> -> memref<!tpu.dma_semaphore, #tpu.memory_space<semaphore_mem>>
        tpu.enqueue_indirect_dma source(%dma_start3A_251 : memref<4096x128xf32, #tpu.memory_space<hbm>>) target(%dma_start3A_245 : memref<32x128xf32, #tpu.memory_space<vmem>>) offsets(%dma_start3A_246 : memref<32xi32, #tpu.memory_space<vmem>>) semaphore(%dma_start3A_253 : memref<!tpu.dma_semaphore, #tpu.memory_space<semaphore_mem>>)
      } else {
      }
    }
    %scan3A_36 = arith.constant 128 : i32
    "tpu.region"() ({
      %run_scoped3A = tpu.sem_alloc : memref<!tpu.dma_semaphore, #tpu.memory_space<semaphore_mem>>
      %dma_start3A = arith.constant 0 : i32
      %dma_start3A_37 = arith.constant 0 : i32
      %dma_start3A_38 = tpu.memref_slice %arg3[%add3A, %dma_start3A, %dma_start3A_37] : memref<32x64x64xf32, #tpu.memory_space<hbm>> -> memref<1x64x64xf32, #tpu.memory_space<hbm>>
      %dma_start3A_39 = tpu.memref_squeeze %dma_start3A_38 : memref<1x64x64xf32, #tpu.memory_space<hbm>> -> memref<64x64xf32, #tpu.memory_space<hbm>>
      %dma_start3A_40 = arith.constant 0 : i32
      %dma_start3A_41 = arith.constant 0 : i32
      %dma_start3A_42 = tpu.memref_slice %arg3[%add3A, %dma_start3A_40, %dma_start3A_41] : memref<32x64x64xf32, #tpu.memory_space<hbm>> -> memref<1x64x64xf32, #tpu.memory_space<hbm>>
      %dma_start3A_43 = tpu.memref_squeeze %dma_start3A_42 : memref<1x64x64xf32, #tpu.memory_space<hbm>> -> memref<64x64xf32, #tpu.memory_space<hbm>>
      tpu.enqueue_dma source(%arg6 : memref<64x64xf32, #tpu.memory_space<vmem>>) target(%dma_start3A_43 : memref<64x64xf32, #tpu.memory_space<hbm>>) target_semaphore(%run_scoped3A : memref<!tpu.dma_semaphore, #tpu.memory_space<semaphore_mem>>)
      %dma_wait3A = arith.constant 0 : i32
      %dma_wait3A_44 = arith.constant 0 : i32
      %dma_wait3A_45 = tpu.memref_slice %arg3[%add3A, %dma_wait3A, %dma_wait3A_44] : memref<32x64x64xf32, #tpu.memory_space<hbm>> -> memref<1x64x64xf32, #tpu.memory_space<hbm>>
      %dma_wait3A_46 = tpu.memref_squeeze %dma_wait3A_45 : memref<1x64x64xf32, #tpu.memory_space<hbm>> -> memref<64x64xf32, #tpu.memory_space<hbm>>
      %dma_wait3A_47 = arith.constant 0 : i32
      %dma_wait3A_48 = arith.constant 0 : i32
      %dma_wait3A_49 = tpu.memref_slice %arg3[%add3A, %dma_wait3A_47, %dma_wait3A_48] : memref<32x64x64xf32, #tpu.memory_space<hbm>> -> memref<1x64x64xf32, #tpu.memory_space<hbm>>
      %dma_wait3A_50 = tpu.memref_squeeze %dma_wait3A_49 : memref<1x64x64xf32, #tpu.memory_space<hbm>> -> memref<64x64xf32, #tpu.memory_space<hbm>>
      tpu.wait_dma2 semaphore(%run_scoped3A : memref<!tpu.dma_semaphore, #tpu.memory_space<semaphore_mem>>) src(%arg6 : memref<64x64xf32, #tpu.memory_space<vmem>>) dst(%dma_wait3A_50 : memref<64x64xf32, #tpu.memory_space<hbm>>)
      tpu.yield
    }) : () -> ()
    return
  }
}

module attributes {stable_mosaic.version = 14 : i64} {
  func.func @_tc_body(%arg0: i32, %arg1: memref<256x128xf32, #tpu.memory_space<vmem>>, %arg2: memref<256x128xf32, #tpu.memory_space<vmem>>, %arg3: memref<256x128xf32, #tpu.memory_space<vmem>>, %arg4: memref<256x128xf32, #tpu.memory_space<vmem>>, %arg5: memref<256x128xf32, #tpu.memory_space<vmem>>, %arg6: memref<256x128xf32, #tpu.memory_space<vmem>>, %arg7: memref<256x128xf32, #tpu.memory_space<vmem>>, %arg8: memref<256x128xf32, #tpu.memory_space<vmem>>, %arg9: memref<256x128xf32, #tpu.memory_space<vmem>>, %arg10: memref<256x128xf32, #tpu.memory_space<vmem>>, %arg11: memref<256x128xf32, #tpu.memory_space<vmem>>, %arg12: memref<256x128xf32, #tpu.memory_space<vmem>>, %arg13: memref<256x128xf32, #tpu.memory_space<vmem>>, %arg14: memref<256x128xf32, #tpu.memory_space<vmem>>, %arg15: memref<256x128xf32, #tpu.memory_space<vmem>>, %arg16: memref<256x128xf32, #tpu.memory_space<vmem>>, %arg17: memref<256x128xf32, #tpu.memory_space<vmem>>, %arg18: memref<256x128xf32, #tpu.memory_space<vmem>>, %arg19: memref<256x128xf32, #tpu.memory_space<vmem>>, %arg20: memref<256x128xf32, #tpu.memory_space<vmem>>, %arg21: memref<256x128xf32, #tpu.memory_space<vmem>>, %arg22: memref<256x128xf32, #tpu.memory_space<vmem>>, %arg23: memref<256x128xf32, #tpu.memory_space<vmem>>, %arg24: memref<256x128xf32, #tpu.memory_space<vmem>>, %arg25: memref<256x128xf32, #tpu.memory_space<vmem>>, %arg26: memref<256x128xf32, #tpu.memory_space<vmem>>, %arg27: memref<256x128xf32, #tpu.memory_space<vmem>>, %arg28: memref<256x128xf32, #tpu.memory_space<vmem>>, %arg29: memref<256x128xf32, #tpu.memory_space<vmem>>, %arg30: memref<256x128xf32, #tpu.memory_space<vmem>>, %arg31: memref<256x128xf32, #tpu.memory_space<vmem>>, %arg32: memref<256x128xf32, #tpu.memory_space<vmem>>, %arg33: memref<256x128xf32, #tpu.memory_space<vmem>>, %arg34: memref<256x128xf32, #tpu.memory_space<vmem>>, %arg35: memref<256x128xf32, #tpu.memory_space<vmem>>, %arg36: memref<256x128xf32, #tpu.memory_space<vmem>>, %arg37: memref<256x128xf32, #tpu.memory_space<vmem>>, %arg38: memref<256x128xf32, #tpu.memory_space<vmem>>, %arg39: memref<256x128xf32, #tpu.memory_space<vmem>>, %arg40: memref<256x128xf32, #tpu.memory_space<vmem>>, %arg41: memref<256x128xf32, #tpu.memory_space<vmem>>, %arg42: memref<256x128xf32, #tpu.memory_space<vmem>>, %arg43: memref<256x128xf32, #tpu.memory_space<vmem>>, %arg44: memref<256x128xf32, #tpu.memory_space<vmem>>, %arg45: memref<256x128xf32, #tpu.memory_space<vmem>>, %arg46: memref<256x128xf32, #tpu.memory_space<vmem>>, %arg47: memref<256x128xf32, #tpu.memory_space<vmem>>, %arg48: memref<256x128xf32, #tpu.memory_space<vmem>>, %arg49: memref<256x128xf32, #tpu.memory_space<vmem>>, %arg50: memref<256x128xf32, #tpu.memory_space<vmem>>, %arg51: memref<256x128xf32, #tpu.memory_space<vmem>>, %arg52: memref<256x128xf32, #tpu.memory_space<vmem>>, %arg53: memref<256x128xf32, #tpu.memory_space<vmem>>, %arg54: memref<256x128xf32, #tpu.memory_space<vmem>>, %arg55: memref<256x128xf32, #tpu.memory_space<vmem>>, %arg56: memref<256x128xf32, #tpu.memory_space<vmem>>, %arg57: memref<256x128xf32, #tpu.memory_space<vmem>>, %arg58: memref<256x128xf32, #tpu.memory_space<vmem>>, %arg59: memref<256x128xf32, #tpu.memory_space<vmem>>, %arg60: memref<256x128xf32, #tpu.memory_space<vmem>>, %arg61: memref<256x128xf32, #tpu.memory_space<vmem>>, %arg62: memref<256x128xf32, #tpu.memory_space<vmem>>, %arg63: memref<256x128xf32, #tpu.memory_space<vmem>>, %arg64: memref<256x128xf32, #tpu.memory_space<vmem>>, %arg65: memref<8192x64xf32, #tpu.memory_space<vmem>>, %arg66: memref<256x64xf32, #tpu.memory_space<vmem>>) attributes {dimension_semantics = [#tpu.dimension_semantics<arbitrary>], iteration_bounds = array<i64: 8>, scalar_prefetch = 0 : i64, scratch_operands = 0 : i64, tpu.core_type = #tpu.core_type<tc>, window_params = [{transform_indices = @transform_0, window_bounds = array<i64: 256, 128>}, {transform_indices = @transform_1, window_bounds = array<i64: 256, 128>}, {transform_indices = @transform_2, window_bounds = array<i64: 256, 128>}, {transform_indices = @transform_3, window_bounds = array<i64: 256, 128>}, {transform_indices = @transform_4, window_bounds = array<i64: 256, 128>}, {transform_indices = @transform_5, window_bounds = array<i64: 256, 128>}, {transform_indices = @transform_6, window_bounds = array<i64: 256, 128>}, {transform_indices = @transform_7, window_bounds = array<i64: 256, 128>}, {transform_indices = @transform_8, window_bounds = array<i64: 256, 128>}, {transform_indices = @transform_9, window_bounds = array<i64: 256, 128>}, {transform_indices = @transform_10, window_bounds = array<i64: 256, 128>}, {transform_indices = @transform_11, window_bounds = array<i64: 256, 128>}, {transform_indices = @transform_12, window_bounds = array<i64: 256, 128>}, {transform_indices = @transform_13, window_bounds = array<i64: 256, 128>}, {transform_indices = @transform_14, window_bounds = array<i64: 256, 128>}, {transform_indices = @transform_15, window_bounds = array<i64: 256, 128>}, {transform_indices = @transform_16, window_bounds = array<i64: 256, 128>}, {transform_indices = @transform_17, window_bounds = array<i64: 256, 128>}, {transform_indices = @transform_18, window_bounds = array<i64: 256, 128>}, {transform_indices = @transform_19, window_bounds = array<i64: 256, 128>}, {transform_indices = @transform_20, window_bounds = array<i64: 256, 128>}, {transform_indices = @transform_21, window_bounds = array<i64: 256, 128>}, {transform_indices = @transform_22, window_bounds = array<i64: 256, 128>}, {transform_indices = @transform_23, window_bounds = array<i64: 256, 128>}, {transform_indices = @transform_24, window_bounds = array<i64: 256, 128>}, {transform_indices = @transform_25, window_bounds = array<i64: 256, 128>}, {transform_indices = @transform_26, window_bounds = array<i64: 256, 128>}, {transform_indices = @transform_27, window_bounds = array<i64: 256, 128>}, {transform_indices = @transform_28, window_bounds = array<i64: 256, 128>}, {transform_indices = @transform_29, window_bounds = array<i64: 256, 128>}, {transform_indices = @transform_30, window_bounds = array<i64: 256, 128>}, {transform_indices = @transform_31, window_bounds = array<i64: 256, 128>}, {transform_indices = @transform_32, window_bounds = array<i64: 256, 128>}, {transform_indices = @transform_33, window_bounds = array<i64: 256, 128>}, {transform_indices = @transform_34, window_bounds = array<i64: 256, 128>}, {transform_indices = @transform_35, window_bounds = array<i64: 256, 128>}, {transform_indices = @transform_36, window_bounds = array<i64: 256, 128>}, {transform_indices = @transform_37, window_bounds = array<i64: 256, 128>}, {transform_indices = @transform_38, window_bounds = array<i64: 256, 128>}, {transform_indices = @transform_39, window_bounds = array<i64: 256, 128>}, {transform_indices = @transform_40, window_bounds = array<i64: 256, 128>}, {transform_indices = @transform_41, window_bounds = array<i64: 256, 128>}, {transform_indices = @transform_42, window_bounds = array<i64: 256, 128>}, {transform_indices = @transform_43, window_bounds = array<i64: 256, 128>}, {transform_indices = @transform_44, window_bounds = array<i64: 256, 128>}, {transform_indices = @transform_45, window_bounds = array<i64: 256, 128>}, {transform_indices = @transform_46, window_bounds = array<i64: 256, 128>}, {transform_indices = @transform_47, window_bounds = array<i64: 256, 128>}, {transform_indices = @transform_48, window_bounds = array<i64: 256, 128>}, {transform_indices = @transform_49, window_bounds = array<i64: 256, 128>}, {transform_indices = @transform_50, window_bounds = array<i64: 256, 128>}, {transform_indices = @transform_51, window_bounds = array<i64: 256, 128>}, {transform_indices = @transform_52, window_bounds = array<i64: 256, 128>}, {transform_indices = @transform_53, window_bounds = array<i64: 256, 128>}, {transform_indices = @transform_54, window_bounds = array<i64: 256, 128>}, {transform_indices = @transform_55, window_bounds = array<i64: 256, 128>}, {transform_indices = @transform_56, window_bounds = array<i64: 256, 128>}, {transform_indices = @transform_57, window_bounds = array<i64: 256, 128>}, {transform_indices = @transform_58, window_bounds = array<i64: 256, 128>}, {transform_indices = @transform_59, window_bounds = array<i64: 256, 128>}, {transform_indices = @transform_60, window_bounds = array<i64: 256, 128>}, {transform_indices = @transform_61, window_bounds = array<i64: 256, 128>}, {transform_indices = @transform_62, window_bounds = array<i64: 256, 128>}, {transform_indices = @transform_63, window_bounds = array<i64: 256, 128>}, {pipeline_mode = #tpu.pipeline_mode<synchronous>, transform_indices = @transform_64, window_bounds = array<i64: 8192, 64>}, {transform_indices = @transform_65, window_bounds = array<i64: 256, 64>}]} {
    %get3A = arith.constant 0 : index
    %get3A_0 = arith.constant 0 : index
    %get3A_1 = vector.load %arg1[%get3A, %get3A_0] : memref<256x128xf32, #tpu.memory_space<vmem>>, vector<256x128xf32>
    %get3A_2 = arith.constant 0 : index
    %get3A_3 = arith.constant 0 : index
    %get3A_4 = vector.load %arg2[%get3A_2, %get3A_3] : memref<256x128xf32, #tpu.memory_space<vmem>>, vector<256x128xf32>
    %get3A_5 = arith.constant 0 : index
    %get3A_6 = arith.constant 0 : index
    %get3A_7 = vector.load %arg3[%get3A_5, %get3A_6] : memref<256x128xf32, #tpu.memory_space<vmem>>, vector<256x128xf32>
    %get3A_8 = arith.constant 0 : index
    %get3A_9 = arith.constant 0 : index
    %get3A_10 = vector.load %arg4[%get3A_8, %get3A_9] : memref<256x128xf32, #tpu.memory_space<vmem>>, vector<256x128xf32>
    %get3A_11 = arith.constant 0 : index
    %get3A_12 = arith.constant 0 : index
    %get3A_13 = vector.load %arg5[%get3A_11, %get3A_12] : memref<256x128xf32, #tpu.memory_space<vmem>>, vector<256x128xf32>
    %get3A_14 = arith.constant 0 : index
    %get3A_15 = arith.constant 0 : index
    %get3A_16 = vector.load %arg6[%get3A_14, %get3A_15] : memref<256x128xf32, #tpu.memory_space<vmem>>, vector<256x128xf32>
    %get3A_17 = arith.constant 0 : index
    %get3A_18 = arith.constant 0 : index
    %get3A_19 = vector.load %arg7[%get3A_17, %get3A_18] : memref<256x128xf32, #tpu.memory_space<vmem>>, vector<256x128xf32>
    %get3A_20 = arith.constant 0 : index
    %get3A_21 = arith.constant 0 : index
    %get3A_22 = vector.load %arg8[%get3A_20, %get3A_21] : memref<256x128xf32, #tpu.memory_space<vmem>>, vector<256x128xf32>
    %get3A_23 = arith.constant 0 : index
    %get3A_24 = arith.constant 0 : index
    %get3A_25 = vector.load %arg9[%get3A_23, %get3A_24] : memref<256x128xf32, #tpu.memory_space<vmem>>, vector<256x128xf32>
    %get3A_26 = arith.constant 0 : index
    %get3A_27 = arith.constant 0 : index
    %get3A_28 = vector.load %arg10[%get3A_26, %get3A_27] : memref<256x128xf32, #tpu.memory_space<vmem>>, vector<256x128xf32>
    %get3A_29 = arith.constant 0 : index
    %get3A_30 = arith.constant 0 : index
    %get3A_31 = vector.load %arg11[%get3A_29, %get3A_30] : memref<256x128xf32, #tpu.memory_space<vmem>>, vector<256x128xf32>
    %get3A_32 = arith.constant 0 : index
    %get3A_33 = arith.constant 0 : index
    %get3A_34 = vector.load %arg12[%get3A_32, %get3A_33] : memref<256x128xf32, #tpu.memory_space<vmem>>, vector<256x128xf32>
    %get3A_35 = arith.constant 0 : index
    %get3A_36 = arith.constant 0 : index
    %get3A_37 = vector.load %arg13[%get3A_35, %get3A_36] : memref<256x128xf32, #tpu.memory_space<vmem>>, vector<256x128xf32>
    %get3A_38 = arith.constant 0 : index
    %get3A_39 = arith.constant 0 : index
    %get3A_40 = vector.load %arg14[%get3A_38, %get3A_39] : memref<256x128xf32, #tpu.memory_space<vmem>>, vector<256x128xf32>
    %get3A_41 = arith.constant 0 : index
    %get3A_42 = arith.constant 0 : index
    %get3A_43 = vector.load %arg15[%get3A_41, %get3A_42] : memref<256x128xf32, #tpu.memory_space<vmem>>, vector<256x128xf32>
    %get3A_44 = arith.constant 0 : index
    %get3A_45 = arith.constant 0 : index
    %get3A_46 = vector.load %arg16[%get3A_44, %get3A_45] : memref<256x128xf32, #tpu.memory_space<vmem>>, vector<256x128xf32>
    %get3A_47 = arith.constant 0 : index
    %get3A_48 = arith.constant 0 : index
    %get3A_49 = vector.load %arg17[%get3A_47, %get3A_48] : memref<256x128xf32, #tpu.memory_space<vmem>>, vector<256x128xf32>
    %get3A_50 = arith.constant 0 : index
    %get3A_51 = arith.constant 0 : index
    %get3A_52 = vector.load %arg18[%get3A_50, %get3A_51] : memref<256x128xf32, #tpu.memory_space<vmem>>, vector<256x128xf32>
    %get3A_53 = arith.constant 0 : index
    %get3A_54 = arith.constant 0 : index
    %get3A_55 = vector.load %arg19[%get3A_53, %get3A_54] : memref<256x128xf32, #tpu.memory_space<vmem>>, vector<256x128xf32>
    %get3A_56 = arith.constant 0 : index
    %get3A_57 = arith.constant 0 : index
    %get3A_58 = vector.load %arg20[%get3A_56, %get3A_57] : memref<256x128xf32, #tpu.memory_space<vmem>>, vector<256x128xf32>
    %get3A_59 = arith.constant 0 : index
    %get3A_60 = arith.constant 0 : index
    %get3A_61 = vector.load %arg21[%get3A_59, %get3A_60] : memref<256x128xf32, #tpu.memory_space<vmem>>, vector<256x128xf32>
    %get3A_62 = arith.constant 0 : index
    %get3A_63 = arith.constant 0 : index
    %get3A_64 = vector.load %arg22[%get3A_62, %get3A_63] : memref<256x128xf32, #tpu.memory_space<vmem>>, vector<256x128xf32>
    %get3A_65 = arith.constant 0 : index
    %get3A_66 = arith.constant 0 : index
    %get3A_67 = vector.load %arg23[%get3A_65, %get3A_66] : memref<256x128xf32, #tpu.memory_space<vmem>>, vector<256x128xf32>
    %get3A_68 = arith.constant 0 : index
    %get3A_69 = arith.constant 0 : index
    %get3A_70 = vector.load %arg24[%get3A_68, %get3A_69] : memref<256x128xf32, #tpu.memory_space<vmem>>, vector<256x128xf32>
    %get3A_71 = arith.constant 0 : index
    %get3A_72 = arith.constant 0 : index
    %get3A_73 = vector.load %arg25[%get3A_71, %get3A_72] : memref<256x128xf32, #tpu.memory_space<vmem>>, vector<256x128xf32>
    %get3A_74 = arith.constant 0 : index
    %get3A_75 = arith.constant 0 : index
    %get3A_76 = vector.load %arg26[%get3A_74, %get3A_75] : memref<256x128xf32, #tpu.memory_space<vmem>>, vector<256x128xf32>
    %get3A_77 = arith.constant 0 : index
    %get3A_78 = arith.constant 0 : index
    %get3A_79 = vector.load %arg27[%get3A_77, %get3A_78] : memref<256x128xf32, #tpu.memory_space<vmem>>, vector<256x128xf32>
    %get3A_80 = arith.constant 0 : index
    %get3A_81 = arith.constant 0 : index
    %get3A_82 = vector.load %arg28[%get3A_80, %get3A_81] : memref<256x128xf32, #tpu.memory_space<vmem>>, vector<256x128xf32>
    %get3A_83 = arith.constant 0 : index
    %get3A_84 = arith.constant 0 : index
    %get3A_85 = vector.load %arg29[%get3A_83, %get3A_84] : memref<256x128xf32, #tpu.memory_space<vmem>>, vector<256x128xf32>
    %get3A_86 = arith.constant 0 : index
    %get3A_87 = arith.constant 0 : index
    %get3A_88 = vector.load %arg30[%get3A_86, %get3A_87] : memref<256x128xf32, #tpu.memory_space<vmem>>, vector<256x128xf32>
    %get3A_89 = arith.constant 0 : index
    %get3A_90 = arith.constant 0 : index
    %get3A_91 = vector.load %arg31[%get3A_89, %get3A_90] : memref<256x128xf32, #tpu.memory_space<vmem>>, vector<256x128xf32>
    %get3A_92 = arith.constant 0 : index
    %get3A_93 = arith.constant 0 : index
    %get3A_94 = vector.load %arg32[%get3A_92, %get3A_93] : memref<256x128xf32, #tpu.memory_space<vmem>>, vector<256x128xf32>
    %get3A_95 = arith.constant 0 : index
    %get3A_96 = arith.constant 0 : index
    %get3A_97 = vector.load %arg33[%get3A_95, %get3A_96] : memref<256x128xf32, #tpu.memory_space<vmem>>, vector<256x128xf32>
    %get3A_98 = arith.constant 0 : index
    %get3A_99 = arith.constant 0 : index
    %get3A_100 = vector.load %arg34[%get3A_98, %get3A_99] : memref<256x128xf32, #tpu.memory_space<vmem>>, vector<256x128xf32>
    %get3A_101 = arith.constant 0 : index
    %get3A_102 = arith.constant 0 : index
    %get3A_103 = vector.load %arg35[%get3A_101, %get3A_102] : memref<256x128xf32, #tpu.memory_space<vmem>>, vector<256x128xf32>
    %get3A_104 = arith.constant 0 : index
    %get3A_105 = arith.constant 0 : index
    %get3A_106 = vector.load %arg36[%get3A_104, %get3A_105] : memref<256x128xf32, #tpu.memory_space<vmem>>, vector<256x128xf32>
    %get3A_107 = arith.constant 0 : index
    %get3A_108 = arith.constant 0 : index
    %get3A_109 = vector.load %arg37[%get3A_107, %get3A_108] : memref<256x128xf32, #tpu.memory_space<vmem>>, vector<256x128xf32>
    %get3A_110 = arith.constant 0 : index
    %get3A_111 = arith.constant 0 : index
    %get3A_112 = vector.load %arg38[%get3A_110, %get3A_111] : memref<256x128xf32, #tpu.memory_space<vmem>>, vector<256x128xf32>
    %get3A_113 = arith.constant 0 : index
    %get3A_114 = arith.constant 0 : index
    %get3A_115 = vector.load %arg39[%get3A_113, %get3A_114] : memref<256x128xf32, #tpu.memory_space<vmem>>, vector<256x128xf32>
    %get3A_116 = arith.constant 0 : index
    %get3A_117 = arith.constant 0 : index
    %get3A_118 = vector.load %arg40[%get3A_116, %get3A_117] : memref<256x128xf32, #tpu.memory_space<vmem>>, vector<256x128xf32>
    %get3A_119 = arith.constant 0 : index
    %get3A_120 = arith.constant 0 : index
    %get3A_121 = vector.load %arg41[%get3A_119, %get3A_120] : memref<256x128xf32, #tpu.memory_space<vmem>>, vector<256x128xf32>
    %get3A_122 = arith.constant 0 : index
    %get3A_123 = arith.constant 0 : index
    %get3A_124 = vector.load %arg42[%get3A_122, %get3A_123] : memref<256x128xf32, #tpu.memory_space<vmem>>, vector<256x128xf32>
    %get3A_125 = arith.constant 0 : index
    %get3A_126 = arith.constant 0 : index
    %get3A_127 = vector.load %arg43[%get3A_125, %get3A_126] : memref<256x128xf32, #tpu.memory_space<vmem>>, vector<256x128xf32>
    %get3A_128 = arith.constant 0 : index
    %get3A_129 = arith.constant 0 : index
    %get3A_130 = vector.load %arg44[%get3A_128, %get3A_129] : memref<256x128xf32, #tpu.memory_space<vmem>>, vector<256x128xf32>
    %get3A_131 = arith.constant 0 : index
    %get3A_132 = arith.constant 0 : index
    %get3A_133 = vector.load %arg45[%get3A_131, %get3A_132] : memref<256x128xf32, #tpu.memory_space<vmem>>, vector<256x128xf32>
    %get3A_134 = arith.constant 0 : index
    %get3A_135 = arith.constant 0 : index
    %get3A_136 = vector.load %arg46[%get3A_134, %get3A_135] : memref<256x128xf32, #tpu.memory_space<vmem>>, vector<256x128xf32>
    %get3A_137 = arith.constant 0 : index
    %get3A_138 = arith.constant 0 : index
    %get3A_139 = vector.load %arg47[%get3A_137, %get3A_138] : memref<256x128xf32, #tpu.memory_space<vmem>>, vector<256x128xf32>
    %get3A_140 = arith.constant 0 : index
    %get3A_141 = arith.constant 0 : index
    %get3A_142 = vector.load %arg48[%get3A_140, %get3A_141] : memref<256x128xf32, #tpu.memory_space<vmem>>, vector<256x128xf32>
    %get3A_143 = arith.constant 0 : index
    %get3A_144 = arith.constant 0 : index
    %get3A_145 = vector.load %arg49[%get3A_143, %get3A_144] : memref<256x128xf32, #tpu.memory_space<vmem>>, vector<256x128xf32>
    %get3A_146 = arith.constant 0 : index
    %get3A_147 = arith.constant 0 : index
    %get3A_148 = vector.load %arg50[%get3A_146, %get3A_147] : memref<256x128xf32, #tpu.memory_space<vmem>>, vector<256x128xf32>
    %get3A_149 = arith.constant 0 : index
    %get3A_150 = arith.constant 0 : index
    %get3A_151 = vector.load %arg51[%get3A_149, %get3A_150] : memref<256x128xf32, #tpu.memory_space<vmem>>, vector<256x128xf32>
    %get3A_152 = arith.constant 0 : index
    %get3A_153 = arith.constant 0 : index
    %get3A_154 = vector.load %arg52[%get3A_152, %get3A_153] : memref<256x128xf32, #tpu.memory_space<vmem>>, vector<256x128xf32>
    %get3A_155 = arith.constant 0 : index
    %get3A_156 = arith.constant 0 : index
    %get3A_157 = vector.load %arg53[%get3A_155, %get3A_156] : memref<256x128xf32, #tpu.memory_space<vmem>>, vector<256x128xf32>
    %get3A_158 = arith.constant 0 : index
    %get3A_159 = arith.constant 0 : index
    %get3A_160 = vector.load %arg54[%get3A_158, %get3A_159] : memref<256x128xf32, #tpu.memory_space<vmem>>, vector<256x128xf32>
    %get3A_161 = arith.constant 0 : index
    %get3A_162 = arith.constant 0 : index
    %get3A_163 = vector.load %arg55[%get3A_161, %get3A_162] : memref<256x128xf32, #tpu.memory_space<vmem>>, vector<256x128xf32>
    %get3A_164 = arith.constant 0 : index
    %get3A_165 = arith.constant 0 : index
    %get3A_166 = vector.load %arg56[%get3A_164, %get3A_165] : memref<256x128xf32, #tpu.memory_space<vmem>>, vector<256x128xf32>
    %get3A_167 = arith.constant 0 : index
    %get3A_168 = arith.constant 0 : index
    %get3A_169 = vector.load %arg57[%get3A_167, %get3A_168] : memref<256x128xf32, #tpu.memory_space<vmem>>, vector<256x128xf32>
    %get3A_170 = arith.constant 0 : index
    %get3A_171 = arith.constant 0 : index
    %get3A_172 = vector.load %arg58[%get3A_170, %get3A_171] : memref<256x128xf32, #tpu.memory_space<vmem>>, vector<256x128xf32>
    %get3A_173 = arith.constant 0 : index
    %get3A_174 = arith.constant 0 : index
    %get3A_175 = vector.load %arg59[%get3A_173, %get3A_174] : memref<256x128xf32, #tpu.memory_space<vmem>>, vector<256x128xf32>
    %get3A_176 = arith.constant 0 : index
    %get3A_177 = arith.constant 0 : index
    %get3A_178 = vector.load %arg60[%get3A_176, %get3A_177] : memref<256x128xf32, #tpu.memory_space<vmem>>, vector<256x128xf32>
    %get3A_179 = arith.constant 0 : index
    %get3A_180 = arith.constant 0 : index
    %get3A_181 = vector.load %arg61[%get3A_179, %get3A_180] : memref<256x128xf32, #tpu.memory_space<vmem>>, vector<256x128xf32>
    %get3A_182 = arith.constant 0 : index
    %get3A_183 = arith.constant 0 : index
    %get3A_184 = vector.load %arg62[%get3A_182, %get3A_183] : memref<256x128xf32, #tpu.memory_space<vmem>>, vector<256x128xf32>
    %get3A_185 = arith.constant 0 : index
    %get3A_186 = arith.constant 0 : index
    %get3A_187 = vector.load %arg63[%get3A_185, %get3A_186] : memref<256x128xf32, #tpu.memory_space<vmem>>, vector<256x128xf32>
    %get3A_188 = arith.constant 0 : index
    %get3A_189 = arith.constant 0 : index
    %get3A_190 = vector.load %arg64[%get3A_188, %get3A_189] : memref<256x128xf32, #tpu.memory_space<vmem>>, vector<256x128xf32>
    %concatenate3A = tpu.concatenate %get3A_1, %get3A_4, %get3A_7, %get3A_10, %get3A_13, %get3A_16, %get3A_19, %get3A_22, %get3A_25, %get3A_28, %get3A_31, %get3A_34, %get3A_37, %get3A_40, %get3A_43, %get3A_46, %get3A_49, %get3A_52, %get3A_55, %get3A_58, %get3A_61, %get3A_64, %get3A_67, %get3A_70, %get3A_73, %get3A_76, %get3A_79, %get3A_82, %get3A_85, %get3A_88, %get3A_91, %get3A_94, %get3A_97, %get3A_100, %get3A_103, %get3A_106, %get3A_109, %get3A_112, %get3A_115, %get3A_118, %get3A_121, %get3A_124, %get3A_127, %get3A_130, %get3A_133, %get3A_136, %get3A_139, %get3A_142, %get3A_145, %get3A_148, %get3A_151, %get3A_154, %get3A_157, %get3A_160, %get3A_163, %get3A_166, %get3A_169, %get3A_172, %get3A_175, %get3A_178, %get3A_181, %get3A_184, %get3A_187, %get3A_190 in 1 : vector<256x128xf32>, vector<256x128xf32>, vector<256x128xf32>, vector<256x128xf32>, vector<256x128xf32>, vector<256x128xf32>, vector<256x128xf32>, vector<256x128xf32>, vector<256x128xf32>, vector<256x128xf32>, vector<256x128xf32>, vector<256x128xf32>, vector<256x128xf32>, vector<256x128xf32>, vector<256x128xf32>, vector<256x128xf32>, vector<256x128xf32>, vector<256x128xf32>, vector<256x128xf32>, vector<256x128xf32>, vector<256x128xf32>, vector<256x128xf32>, vector<256x128xf32>, vector<256x128xf32>, vector<256x128xf32>, vector<256x128xf32>, vector<256x128xf32>, vector<256x128xf32>, vector<256x128xf32>, vector<256x128xf32>, vector<256x128xf32>, vector<256x128xf32>, vector<256x128xf32>, vector<256x128xf32>, vector<256x128xf32>, vector<256x128xf32>, vector<256x128xf32>, vector<256x128xf32>, vector<256x128xf32>, vector<256x128xf32>, vector<256x128xf32>, vector<256x128xf32>, vector<256x128xf32>, vector<256x128xf32>, vector<256x128xf32>, vector<256x128xf32>, vector<256x128xf32>, vector<256x128xf32>, vector<256x128xf32>, vector<256x128xf32>, vector<256x128xf32>, vector<256x128xf32>, vector<256x128xf32>, vector<256x128xf32>, vector<256x128xf32>, vector<256x128xf32>, vector<256x128xf32>, vector<256x128xf32>, vector<256x128xf32>, vector<256x128xf32>, vector<256x128xf32>, vector<256x128xf32>, vector<256x128xf32>, vector<256x128xf32> -> vector<256x8192xf32>
    %get3A_191 = arith.constant 0 : index
    %get3A_192 = arith.constant 0 : index
    %get3A_193 = vector.load %arg65[%get3A_191, %get3A_192] : memref<8192x64xf32, #tpu.memory_space<vmem>>, vector<8192x64xf32>
    %dot_general3A = arith.constant dense<0.000000e+00> : vector<256x64xf32>
    %dot_general3A_194 = tpu.matmul %concatenate3A, %get3A_193, %dot_general3A {dimension_numbers = #tpu.dot_dimension_numbers<[1], [0], [0], [1], [0, 0, 1, 1], [], []>, transpose_lhs_hint = false} : vector<256x8192xf32>, vector<8192x64xf32>, vector<256x64xf32> -> vector<256x64xf32>
    %swap3A = arith.constant 0 : index
    %swap3A_195 = arith.constant 0 : index
    %swap3A_196 = vector.load %arg66[%swap3A, %swap3A_195] : memref<256x64xf32, #tpu.memory_space<vmem>>, vector<256x64xf32>
    tpu.vector_store %arg66[%swap3A, %swap3A_195], %dot_general3A_194 {strides = array<i32>} : memref<256x64xf32, #tpu.memory_space<vmem>>, vector<256x64xf32>,
    return
  }
  func.func @transform_0(%arg0: i32) -> (i32, i32) {
    %add3A = arith.constant 8 : i32
    %add3A_0 = arith.addi %arg0, %add3A : i32
    %c0_i32 = arith.constant 0 : i32
    %c0_i32_1 = arith.constant 0 : i32
    return %add3A_0, %c0_i32 : i32, i32
  }
  func.func @transform_1(%arg0: i32) -> (i32, i32) {
    %add3A = arith.constant 8 : i32
    %add3A_0 = arith.addi %arg0, %add3A : i32
    %c12_i32 = arith.constant 12 : i32
    %c0_i32 = arith.constant 0 : i32
    return %add3A_0, %c12_i32 : i32, i32
  }
  func.func @transform_2(%arg0: i32) -> (i32, i32) {
    %add3A = arith.constant 8 : i32
    %add3A_0 = arith.addi %arg0, %add3A : i32
    %c24_i32 = arith.constant 24 : i32
    %c0_i32 = arith.constant 0 : i32
    return %add3A_0, %c24_i32 : i32, i32
  }
  func.func @transform_3(%arg0: i32) -> (i32, i32) {
    %add3A = arith.constant 8 : i32
    %add3A_0 = arith.addi %arg0, %add3A : i32
    %c36_i32 = arith.constant 36 : i32
    %c0_i32 = arith.constant 0 : i32
    return %add3A_0, %c36_i32 : i32, i32
  }
  func.func @transform_4(%arg0: i32) -> (i32, i32) {
    %add3A = arith.constant 8 : i32
    %add3A_0 = arith.addi %arg0, %add3A : i32
    %c48_i32 = arith.constant 48 : i32
    %c0_i32 = arith.constant 0 : i32
    return %add3A_0, %c48_i32 : i32, i32
  }
  func.func @transform_5(%arg0: i32) -> (i32, i32) {
    %add3A = arith.constant 8 : i32
    %add3A_0 = arith.addi %arg0, %add3A : i32
    %c61_i32 = arith.constant 61 : i32
    %c0_i32 = arith.constant 0 : i32
    return %add3A_0, %c61_i32 : i32, i32
  }
  func.func @transform_6(%arg0: i32) -> (i32, i32) {
    %add3A = arith.constant 8 : i32
    %add3A_0 = arith.addi %arg0, %add3A : i32
    %c73_i32 = arith.constant 73 : i32
    %c0_i32 = arith.constant 0 : i32
    return %add3A_0, %c73_i32 : i32, i32
  }
  func.func @transform_7(%arg0: i32) -> (i32, i32) {
    %add3A = arith.constant 8 : i32
    %add3A_0 = arith.addi %arg0, %add3A : i32
    %c85_i32 = arith.constant 85 : i32
    %c0_i32 = arith.constant 0 : i32
    return %add3A_0, %c85_i32 : i32, i32
  }
  func.func @transform_8(%arg0: i32) -> (i32, i32) {
    %add3A = arith.constant 8 : i32
    %add3A_0 = arith.addi %arg0, %add3A : i32
    %c97_i32 = arith.constant 97 : i32
    %c0_i32 = arith.constant 0 : i32
    return %add3A_0, %c97_i32 : i32, i32
  }
  func.func @transform_9(%arg0: i32) -> (i32, i32) {
    %add3A = arith.constant 8 : i32
    %add3A_0 = arith.addi %arg0, %add3A : i32
    %c109_i32 = arith.constant 109 : i32
    %c0_i32 = arith.constant 0 : i32
    return %add3A_0, %c109_i32 : i32, i32
  }
  func.func @transform_10(%arg0: i32) -> (i32, i32) {
    %add3A = arith.constant 8 : i32
    %add3A_0 = arith.addi %arg0, %add3A : i32
    %c122_i32 = arith.constant 122 : i32
    %c0_i32 = arith.constant 0 : i32
    return %add3A_0, %c122_i32 : i32, i32
  }
  func.func @transform_11(%arg0: i32) -> (i32, i32) {
    %add3A = arith.constant 8 : i32
    %add3A_0 = arith.addi %arg0, %add3A : i32
    %c134_i32 = arith.constant 134 : i32
    %c0_i32 = arith.constant 0 : i32
    return %add3A_0, %c134_i32 : i32, i32
  }
  func.func @transform_12(%arg0: i32) -> (i32, i32) {
    %add3A = arith.constant 8 : i32
    %add3A_0 = arith.addi %arg0, %add3A : i32
    %c146_i32 = arith.constant 146 : i32
    %c0_i32 = arith.constant 0 : i32
    return %add3A_0, %c146_i32 : i32, i32
  }
  func.func @transform_13(%arg0: i32) -> (i32, i32) {
    %add3A = arith.constant 8 : i32
    %add3A_0 = arith.addi %arg0, %add3A : i32
    %c158_i32 = arith.constant 158 : i32
    %c0_i32 = arith.constant 0 : i32
    return %add3A_0, %c158_i32 : i32, i32
  }
  func.func @transform_14(%arg0: i32) -> (i32, i32) {
    %add3A = arith.constant 8 : i32
    %add3A_0 = arith.addi %arg0, %add3A : i32
    %c171_i32 = arith.constant 171 : i32
    %c0_i32 = arith.constant 0 : i32
    return %add3A_0, %c171_i32 : i32, i32
  }
  func.func @transform_15(%arg0: i32) -> (i32, i32) {
    %add3A = arith.constant 8 : i32
    %add3A_0 = arith.addi %arg0, %add3A : i32
    %c183_i32 = arith.constant 183 : i32
    %c0_i32 = arith.constant 0 : i32
    return %add3A_0, %c183_i32 : i32, i32
  }
  func.func @transform_16(%arg0: i32) -> (i32, i32) {
    %add3A = arith.constant 8 : i32
    %add3A_0 = arith.addi %arg0, %add3A : i32
    %c195_i32 = arith.constant 195 : i32
    %c0_i32 = arith.constant 0 : i32
    return %add3A_0, %c195_i32 : i32, i32
  }
  func.func @transform_17(%arg0: i32) -> (i32, i32) {
    %add3A = arith.constant 8 : i32
    %add3A_0 = arith.addi %arg0, %add3A : i32
    %c207_i32 = arith.constant 207 : i32
    %c0_i32 = arith.constant 0 : i32
    return %add3A_0, %c207_i32 : i32, i32
  }
  func.func @transform_18(%arg0: i32) -> (i32, i32) {
    %add3A = arith.constant 8 : i32
    %add3A_0 = arith.addi %arg0, %add3A : i32
    %c219_i32 = arith.constant 219 : i32
    %c0_i32 = arith.constant 0 : i32
    return %add3A_0, %c219_i32 : i32, i32
  }
  func.func @transform_19(%arg0: i32) -> (i32, i32) {
    %add3A = arith.constant 8 : i32
    %add3A_0 = arith.addi %arg0, %add3A : i32
    %c232_i32 = arith.constant 232 : i32
    %c0_i32 = arith.constant 0 : i32
    return %add3A_0, %c232_i32 : i32, i32
  }
  func.func @transform_20(%arg0: i32) -> (i32, i32) {
    %add3A = arith.constant 8 : i32
    %add3A_0 = arith.addi %arg0, %add3A : i32
    %c244_i32 = arith.constant 244 : i32
    %c0_i32 = arith.constant 0 : i32
    return %add3A_0, %c244_i32 : i32, i32
  }
  func.func @transform_21(%arg0: i32) -> (i32, i32) {
    %add3A = arith.constant 8 : i32
    %add3A_0 = arith.addi %arg0, %add3A : i32
    %c256_i32 = arith.constant 256 : i32
    %c0_i32 = arith.constant 0 : i32
    return %add3A_0, %c256_i32 : i32, i32
  }
  func.func @transform_22(%arg0: i32) -> (i32, i32) {
    %add3A = arith.constant 8 : i32
    %add3A_0 = arith.addi %arg0, %add3A : i32
    %c268_i32 = arith.constant 268 : i32
    %c0_i32 = arith.constant 0 : i32
    return %add3A_0, %c268_i32 : i32, i32
  }
  func.func @transform_23(%arg0: i32) -> (i32, i32) {
    %add3A = arith.constant 8 : i32
    %add3A_0 = arith.addi %arg0, %add3A : i32
    %c280_i32 = arith.constant 280 : i32
    %c0_i32 = arith.constant 0 : i32
    return %add3A_0, %c280_i32 : i32, i32
  }
  func.func @transform_24(%arg0: i32) -> (i32, i32) {
    %add3A = arith.constant 8 : i32
    %add3A_0 = arith.addi %arg0, %add3A : i32
    %c293_i32 = arith.constant 293 : i32
    %c0_i32 = arith.constant 0 : i32
    return %add3A_0, %c293_i32 : i32, i32
  }
  func.func @transform_25(%arg0: i32) -> (i32, i32) {
    %add3A = arith.constant 8 : i32
    %add3A_0 = arith.addi %arg0, %add3A : i32
    %c305_i32 = arith.constant 305 : i32
    %c0_i32 = arith.constant 0 : i32
    return %add3A_0, %c305_i32 : i32, i32
  }
  func.func @transform_26(%arg0: i32) -> (i32, i32) {
    %add3A = arith.constant 8 : i32
    %add3A_0 = arith.addi %arg0, %add3A : i32
    %c317_i32 = arith.constant 317 : i32
    %c0_i32 = arith.constant 0 : i32
    return %add3A_0, %c317_i32 : i32, i32
  }
  func.func @transform_27(%arg0: i32) -> (i32, i32) {
    %add3A = arith.constant 8 : i32
    %add3A_0 = arith.addi %arg0, %add3A : i32
    %c329_i32 = arith.constant 329 : i32
    %c0_i32 = arith.constant 0 : i32
    return %add3A_0, %c329_i32 : i32, i32
  }
  func.func @transform_28(%arg0: i32) -> (i32, i32) {
    %add3A = arith.constant 8 : i32
    %add3A_0 = arith.addi %arg0, %add3A : i32
    %c341_i32 = arith.constant 341 : i32
    %c0_i32 = arith.constant 0 : i32
    return %add3A_0, %c341_i32 : i32, i32
  }
  func.func @transform_29(%arg0: i32) -> (i32, i32) {
    %add3A = arith.constant 8 : i32
    %add3A_0 = arith.addi %arg0, %add3A : i32
    %c354_i32 = arith.constant 354 : i32
    %c0_i32 = arith.constant 0 : i32
    return %add3A_0, %c354_i32 : i32, i32
  }
  func.func @transform_30(%arg0: i32) -> (i32, i32) {
    %add3A = arith.constant 8 : i32
    %add3A_0 = arith.addi %arg0, %add3A : i32
    %c366_i32 = arith.constant 366 : i32
    %c0_i32 = arith.constant 0 : i32
    return %add3A_0, %c366_i32 : i32, i32
  }
  func.func @transform_31(%arg0: i32) -> (i32, i32) {
    %add3A = arith.constant 8 : i32
    %add3A_0 = arith.addi %arg0, %add3A : i32
    %c378_i32 = arith.constant 378 : i32
    %c0_i32 = arith.constant 0 : i32
    return %add3A_0, %c378_i32 : i32, i32
  }
  func.func @transform_32(%arg0: i32) -> (i32, i32) {
    %add3A = arith.constant 8 : i32
    %add3A_0 = arith.addi %arg0, %add3A : i32
    %c390_i32 = arith.constant 390 : i32
    %c0_i32 = arith.constant 0 : i32
    return %add3A_0, %c390_i32 : i32, i32
  }
  func.func @transform_33(%arg0: i32) -> (i32, i32) {
    %add3A = arith.constant 8 : i32
    %add3A_0 = arith.addi %arg0, %add3A : i32
    %c403_i32 = arith.constant 403 : i32
    %c0_i32 = arith.constant 0 : i32
    return %add3A_0, %c403_i32 : i32, i32
  }
  func.func @transform_34(%arg0: i32) -> (i32, i32) {
    %add3A = arith.constant 8 : i32
    %add3A_0 = arith.addi %arg0, %add3A : i32
    %c415_i32 = arith.constant 415 : i32
    %c0_i32 = arith.constant 0 : i32
    return %add3A_0, %c415_i32 : i32, i32
  }
  func.func @transform_35(%arg0: i32) -> (i32, i32) {
    %add3A = arith.constant 8 : i32
    %add3A_0 = arith.addi %arg0, %add3A : i32
    %c427_i32 = arith.constant 427 : i32
    %c0_i32 = arith.constant 0 : i32
    return %add3A_0, %c427_i32 : i32, i32
  }
  func.func @transform_36(%arg0: i32) -> (i32, i32) {
    %add3A = arith.constant 8 : i32
    %add3A_0 = arith.addi %arg0, %add3A : i32
    %c439_i32 = arith.constant 439 : i32
    %c0_i32 = arith.constant 0 : i32
    return %add3A_0, %c439_i32 : i32, i32
  }
  func.func @transform_37(%arg0: i32) -> (i32, i32) {
    %add3A = arith.constant 8 : i32
    %add3A_0 = arith.addi %arg0, %add3A : i32
    %c451_i32 = arith.constant 451 : i32
    %c0_i32 = arith.constant 0 : i32
    return %add3A_0, %c451_i32 : i32, i32
  }
  func.func @transform_38(%arg0: i32) -> (i32, i32) {
    %add3A = arith.constant 8 : i32
    %add3A_0 = arith.addi %arg0, %add3A : i32
    %c464_i32 = arith.constant 464 : i32
    %c0_i32 = arith.constant 0 : i32
    return %add3A_0, %c464_i32 : i32, i32
  }
  func.func @transform_39(%arg0: i32) -> (i32, i32) {
    %add3A = arith.constant 8 : i32
    %add3A_0 = arith.addi %arg0, %add3A : i32
    %c476_i32 = arith.constant 476 : i32
    %c0_i32 = arith.constant 0 : i32
    return %add3A_0, %c476_i32 : i32, i32
  }
  func.func @transform_40(%arg0: i32) -> (i32, i32) {
    %add3A = arith.constant 8 : i32
    %add3A_0 = arith.addi %arg0, %add3A : i32
    %c488_i32 = arith.constant 488 : i32
    %c0_i32 = arith.constant 0 : i32
    return %add3A_0, %c488_i32 : i32, i32
  }
  func.func @transform_41(%arg0: i32) -> (i32, i32) {
    %add3A = arith.constant 8 : i32
    %add3A_0 = arith.addi %arg0, %add3A : i32
    %c500_i32 = arith.constant 500 : i32
    %c0_i32 = arith.constant 0 : i32
    return %add3A_0, %c500_i32 : i32, i32
  }
  func.func @transform_42(%arg0: i32) -> (i32, i32) {
    %add3A = arith.constant 8 : i32
    %add3A_0 = arith.addi %arg0, %add3A : i32
    %c512_i32 = arith.constant 512 : i32
    %c0_i32 = arith.constant 0 : i32
    return %add3A_0, %c512_i32 : i32, i32
  }
  func.func @transform_43(%arg0: i32) -> (i32, i32) {
    %add3A = arith.constant 8 : i32
    %add3A_0 = arith.addi %arg0, %add3A : i32
    %c525_i32 = arith.constant 525 : i32
    %c0_i32 = arith.constant 0 : i32
    return %add3A_0, %c525_i32 : i32, i32
  }
  func.func @transform_44(%arg0: i32) -> (i32, i32) {
    %add3A = arith.constant 8 : i32
    %add3A_0 = arith.addi %arg0, %add3A : i32
    %c537_i32 = arith.constant 537 : i32
    %c0_i32 = arith.constant 0 : i32
    return %add3A_0, %c537_i32 : i32, i32
  }
  func.func @transform_45(%arg0: i32) -> (i32, i32) {
    %add3A = arith.constant 8 : i32
    %add3A_0 = arith.addi %arg0, %add3A : i32
    %c549_i32 = arith.constant 549 : i32
    %c0_i32 = arith.constant 0 : i32
    return %add3A_0, %c549_i32 : i32, i32
  }
  func.func @transform_46(%arg0: i32) -> (i32, i32) {
    %add3A = arith.constant 8 : i32
    %add3A_0 = arith.addi %arg0, %add3A : i32
    %c561_i32 = arith.constant 561 : i32
    %c0_i32 = arith.constant 0 : i32
    return %add3A_0, %c561_i32 : i32, i32
  }
  func.func @transform_47(%arg0: i32) -> (i32, i32) {
    %add3A = arith.constant 8 : i32
    %add3A_0 = arith.addi %arg0, %add3A : i32
    %c573_i32 = arith.constant 573 : i32
    %c0_i32 = arith.constant 0 : i32
    return %add3A_0, %c573_i32 : i32, i32
  }
  func.func @transform_48(%arg0: i32) -> (i32, i32) {
    %add3A = arith.constant 8 : i32
    %add3A_0 = arith.addi %arg0, %add3A : i32
    %c586_i32 = arith.constant 586 : i32
    %c0_i32 = arith.constant 0 : i32
    return %add3A_0, %c586_i32 : i32, i32
  }
  func.func @transform_49(%arg0: i32) -> (i32, i32) {
    %add3A = arith.constant 8 : i32
    %add3A_0 = arith.addi %arg0, %add3A : i32
    %c598_i32 = arith.constant 598 : i32
    %c0_i32 = arith.constant 0 : i32
    return %add3A_0, %c598_i32 : i32, i32
  }
  func.func @transform_50(%arg0: i32) -> (i32, i32) {
    %add3A = arith.constant 8 : i32
    %add3A_0 = arith.addi %arg0, %add3A : i32
    %c610_i32 = arith.constant 610 : i32
    %c0_i32 = arith.constant 0 : i32
    return %add3A_0, %c610_i32 : i32, i32
  }
  func.func @transform_51(%arg0: i32) -> (i32, i32) {
    %add3A = arith.constant 8 : i32
    %add3A_0 = arith.addi %arg0, %add3A : i32
    %c622_i32 = arith.constant 622 : i32
    %c0_i32 = arith.constant 0 : i32
    return %add3A_0, %c622_i32 : i32, i32
  }
  func.func @transform_52(%arg0: i32) -> (i32, i32) {
    %add3A = arith.constant 8 : i32
    %add3A_0 = arith.addi %arg0, %add3A : i32
    %c635_i32 = arith.constant 635 : i32
    %c0_i32 = arith.constant 0 : i32
    return %add3A_0, %c635_i32 : i32, i32
  }
  func.func @transform_53(%arg0: i32) -> (i32, i32) {
    %add3A = arith.constant 8 : i32
    %add3A_0 = arith.addi %arg0, %add3A : i32
    %c647_i32 = arith.constant 647 : i32
    %c0_i32 = arith.constant 0 : i32
    return %add3A_0, %c647_i32 : i32, i32
  }
  func.func @transform_54(%arg0: i32) -> (i32, i32) {
    %add3A = arith.constant 8 : i32
    %add3A_0 = arith.addi %arg0, %add3A : i32
    %c659_i32 = arith.constant 659 : i32
    %c0_i32 = arith.constant 0 : i32
    return %add3A_0, %c659_i32 : i32, i32
  }
  func.func @transform_55(%arg0: i32) -> (i32, i32) {
    %add3A = arith.constant 8 : i32
    %add3A_0 = arith.addi %arg0, %add3A : i32
    %c671_i32 = arith.constant 671 : i32
    %c0_i32 = arith.constant 0 : i32
    return %add3A_0, %c671_i32 : i32, i32
  }
  func.func @transform_56(%arg0: i32) -> (i32, i32) {
    %add3A = arith.constant 8 : i32
    %add3A_0 = arith.addi %arg0, %add3A : i32
    %c683_i32 = arith.constant 683 : i32
    %c0_i32 = arith.constant 0 : i32
    return %add3A_0, %c683_i32 : i32, i32
  }
  func.func @transform_57(%arg0: i32) -> (i32, i32) {
    %add3A = arith.constant 8 : i32
    %add3A_0 = arith.addi %arg0, %add3A : i32
    %c696_i32 = arith.constant 696 : i32
    %c0_i32 = arith.constant 0 : i32
    return %add3A_0, %c696_i32 : i32, i32
  }
  func.func @transform_58(%arg0: i32) -> (i32, i32) {
    %add3A = arith.constant 8 : i32
    %add3A_0 = arith.addi %arg0, %add3A : i32
    %c708_i32 = arith.constant 708 : i32
    %c0_i32 = arith.constant 0 : i32
    return %add3A_0, %c708_i32 : i32, i32
  }
  func.func @transform_59(%arg0: i32) -> (i32, i32) {
    %add3A = arith.constant 8 : i32
    %add3A_0 = arith.addi %arg0, %add3A : i32
    %c720_i32 = arith.constant 720 : i32
    %c0_i32 = arith.constant 0 : i32
    return %add3A_0, %c720_i32 : i32, i32
  }
  func.func @transform_60(%arg0: i32) -> (i32, i32) {
    %add3A = arith.constant 8 : i32
    %add3A_0 = arith.addi %arg0, %add3A : i32
    %c732_i32 = arith.constant 732 : i32
    %c0_i32 = arith.constant 0 : i32
    return %add3A_0, %c732_i32 : i32, i32
  }
  func.func @transform_61(%arg0: i32) -> (i32, i32) {
    %add3A = arith.constant 8 : i32
    %add3A_0 = arith.addi %arg0, %add3A : i32
    %c744_i32 = arith.constant 744 : i32
    %c0_i32 = arith.constant 0 : i32
    return %add3A_0, %c744_i32 : i32, i32
  }
  func.func @transform_62(%arg0: i32) -> (i32, i32) {
    %add3A = arith.constant 8 : i32
    %add3A_0 = arith.addi %arg0, %add3A : i32
    %c757_i32 = arith.constant 757 : i32
    %c0_i32 = arith.constant 0 : i32
    return %add3A_0, %c757_i32 : i32, i32
  }
  func.func @transform_63(%arg0: i32) -> (i32, i32) {
    %add3A = arith.constant 8 : i32
    %add3A_0 = arith.addi %arg0, %add3A : i32
    %c769_i32 = arith.constant 769 : i32
    %c0_i32 = arith.constant 0 : i32
    return %add3A_0, %c769_i32 : i32, i32
  }
  func.func @transform_64(%arg0: i32) -> (i32, i32) {
    %c0_i32 = arith.constant 0 : i32
    %c0_i32_0 = arith.constant 0 : i32
    %c0_i32_1 = arith.constant 0 : i32
    return %c0_i32, %c0_i32_0 : i32, i32
  }
  func.func @transform_65(%arg0: i32) -> (i32, i32) {
    %c0_i32 = arith.constant 0 : i32
    %c0_i32_0 = arith.constant 0 : i32
    return %arg0, %c0_i32 : i32, i32
  }
}

</mosaic_0001>

<sc_bundles>
// kernel: kernel.4.cloned.1.call-start
scs
__scs_entry_jumppad:
0x0: {  	(pc) =	sbr.rel $0x88, $3  }
0x1: {  	(tag) =	ssettag $0x0;
	lr =	simm.s32 $0x1  }
0x2: {  	[smem:$0x3FA0] =	sst lr;
	_ =	strace $0xD0000000  }
0x3: {  	_ = 	snop  }
0x4: {  	_ = 	snop  }
0x5: {  	_ = 	snop  }
0x6: {  	_ = 	snop  }
0x7: {  	_ = 	snop  }
__scs_overlays_trampoline_lowered:
0x8: {  	[smem:$0x3FAF] =	sst s0  }
0x9: {  	[smem:$0x3FB0] =	sst s1  }
0xa: {  	[smem:$0x3FB1] =	sst s2  }
0xb: {  	[smem:$0x3FB2] =	sst s3  }
0xc: {  	[smem:$0x3FB3] =	sst s4  }
0xd: {  	[smem:$0x3FB4] =	sst s5  }
0xe: {  	[smem:$0x3FB5] =	sst s6  }
0xf: {  	[smem:$0x3FB6] =	sst s7  }
0x10: {  	[smem:$0x3FB7] =	sst s8  }
0x11: {  	[smem:$0x3FB8] =	sst s9;
	s0 =	simm.s32 @!p0 $0x0  }
0x12: {  	s1 =	sld [smem:$0x3F9E];
	s0 =	simm.s32 @p0 $0x1  }
0x13: {  	[smem:$0x3FB9] =	sst s0;
	s0 =	simm.s32 @!p1 $0x0  }
0x14: {  	s2 =	sld [smem:$0x3F9D];
	s0 =	simm.s32 @p1 $0x1  }
0x15: {  	[smem:$0x3FBA] =	sst s0;
	s0 =	simm.s32 @!p2 $0x0  }
0x16: {  	s3 =	sld [smem:$0x3FDB];
	s0 =	simm.s32 @p2 $0x1  }
0x17: {  	s4 =	simm.s32 $0x1BF5;
	[smem:$0x3FBC] =	sst s0  }
0x18: {  	s0 =	sld [smem:$0x3F9F];
	_ =	swait.ge [sflag:s4], $0x0  }
0x19: {  	s7 =	sld [smem:$0x3FA0]  }
0x1a: {  	s8 =	sadd.s32 $0xFFFFE003, lr  }
0x1b: {  	s9 =	sadd.s32 $0xFFFFFEF7, lr;
	s5 =	simm.s32 $0xFFFFFFFF;
	p2 =	slt.u32 s8, $0xFFFFF086  }
0x1c: {  	p1 =	slt.u32 s9, $0xF7A;
	s5 =	simm.s32 @!p2 $0x0  }
0x1d: {  	s5 =	simm.s32 @p1 $0x1;
	p0 =	seq.s32 s7, s2  }
0x1e: {  	s7 =	smul.u32 @!p0 $0xF7A, s2;
	p2 =	seq.s32 @!p0 s5, $0x0  }
0x1f: {  	s9 =	smul.u32 $0xF7A, s1;
	s8 =	simm.s32 @!p0 $0x1BF5;
	p2 =	por !p2, p0  }
0x20: {  	[sflag:s8] =	ssyncset.s32 @!p0 $0xFFFFF086;
	s6 =	sadd.s32 @!p0 s3, s7;
	s7 =	simm.s32 @!p0 $0x108  }
0x21: {  	s3 =	sadd.s32 s3, s9;
	s6 =	sadd.s32 @!p0 $0x88, s6;
	s7 =	simm.s32 @p2 $0x1082  }
0x22: {  	[simem:s7], [sflag:s8] =	dma.local @!p0 [hbm:s6], $0xF7A  }
0x23: {  	s9 =	sor.u32 $0xD0000000, s2;
	s6 =	simm.s32 $0x108;
	_ =	swait.ge @!p0 [sflag:s8], $0x0  }
0x24: {  	s3 =	sadd.s32 $0x88, s3;
	s6 =	simm.s32 @!p1 $0x1082;
	[sflag:s4] =	ssyncset.s32 $0xFFFFF086  }
0x25: {  	[simem:s6], [sflag:s4] =	dma.local [hbm:s3], $0xF7A  }
0x26: {  	[smem:$0x3FA0] =	sst s1;
	(tag) =	ssettag s2;
	_ =	strace s9  }
0x27: {  	s1 =	sld [smem:$0x3FB0]  }
0x28: {  	s2 =	sld [smem:$0x3FB1]  }
0x29: {  	s4 =	sld [smem:$0x3FB3]  }
0x2a: {  	p0 =	seq.s32 s5, $0x0;
	s5 =	sld [smem:$0x3FB4]  }
0x2b: {  	s6 =	sld [smem:$0x3FB5]  }
0x2c: {  	s7 =	sld [smem:$0x3FB6]  }
0x2d: {  	s3 =	simm.s32 $0x108;
	s8 =	sld [smem:$0x3FB7]  }
0x2e: {  	s3 =	simm.s32 @!p0 $0x1082;
	s9 =	sld [smem:$0x3FB8]  }
0x2f: {  	lr =	sadd.s32 s0, s3;
	s0 =	sld [smem:$0x3FAF]  }
0x30: {  	s3 =	sld [smem:$0x3FB2]  }
0x31: {  	[smem:$0x3FBB] =	sst s10  }
0x32: {  	s10 =	sld [smem:$0x3FB9];
	_ =	sdelay $0x3  }
0x33: {  	p0 =	seq.s32 s10, $0x1;
	s10 =	sld [smem:$0x3FBB];
	_ =	sdelay $0x3  }
0x34: {  	[smem:$0x3FBB] =	sst s10  }
0x35: {  	s10 =	sld [smem:$0x3FBA];
	_ =	sdelay $0x3  }
0x36: {  	p1 =	seq.s32 s10, $0x1;
	s10 =	sld [smem:$0x3FBB];
	_ =	sdelay $0x3  }
0x37: {  	[smem:$0x3FBB] =	sst s10  }
0x38: {  	s10 =	sld [smem:$0x3FBC]  }
0x39: {  	_ = 	snop;
	(pc) =	sbr.ind lr, $3  }
0x3a: {  	_ = 	snop  }
0x3b: {  	_ = 	snop  }
0x3c: {  	p2 =	seq.s32 s10, $0x1;
	s10 =	sld [smem:$0x3FBB]  }
0x3d: {  	_ =	shalt  }
0x3e: {  	_ =	shalt  }
0x3f: {  	_ =	shalt  }
0x40: {  	_ =	shalt  }
0x41: {  	_ =	shalt  }
0x42: {  	_ =	shalt  }
0x43: {  	_ =	shalt  }
0x44: {  	_ =	shalt  }
0x45: {  	_ =	shalt  }
0x46: {  	_ =	shalt  }
0x47: {  	_ =	shalt  }
0x48: {  	_ =	shalt  }
0x49: {  	_ =	shalt  }
0x4a: {  	_ =	shalt  }
0x4b: {  	_ =	shalt  }
0x4c: {  	_ =	shalt  }
0x4d: {  	_ =	shalt  }
0x4e: {  	_ =	shalt  }
0x4f: {  	_ =	shalt  }
0x50: {  	_ =	shalt  }
0x51: {  	_ =	shalt  }
0x52: {  	_ =	shalt  }
0x53: {  	_ =	shalt  }
0x54: {  	_ =	shalt  }
0x55: {  	_ =	shalt  }
0x56: {  	_ =	shalt  }
0x57: {  	_ =	shalt  }
0x58: {  	_ =	shalt  }
0x59: {  	_ =	shalt  }
0x5a: {  	_ =	shalt  }
0x5b: {  	_ =	shalt  }
0x5c: {  	_ =	shalt  }
0x5d: {  	_ =	shalt  }
0x5e: {  	_ =	shalt  }
0x5f: {  	_ =	shalt  }
0x60: {  	_ =	shalt  }
0x61: {  	_ =	shalt  }
0x62: {  	_ =	shalt  }
0x63: {  	_ =	shalt  }
0x64: {  	_ =	shalt  }
0x65: {  	_ =	shalt  }
0x66: {  	_ =	shalt  }
0x67: {  	_ =	shalt  }
0x68: {  	_ =	shalt  }
0x69: {  	_ =	shalt  }
0x6a: {  	_ =	shalt  }
0x6b: {  	_ =	shalt  }
0x6c: {  	_ =	shalt  }
0x6d: {  	_ =	shalt  }
0x6e: {  	_ =	shalt  }
0x6f: {  	_ =	shalt  }
0x70: {  	_ =	shalt  }
0x71: {  	_ =	shalt  }
0x72: {  	_ =	shalt  }
0x73: {  	_ =	shalt  }
0x74: {  	_ =	shalt  }
0x75: {  	_ =	shalt  }
0x76: {  	_ =	shalt  }
0x77: {  	_ =	shalt  }
0x78: {  	_ =	shalt  }
0x79: {  	_ =	shalt  }
0x7a: {  	_ =	shalt  }
0x7b: {  	_ =	shalt  }
0x7c: {  	_ =	shalt  }
0x7d: {  	_ =	shalt  }
0x7e: {  	_ =	shalt  }
0x7f: {  	_ =	shalt  }
0x80: {  	_ =	shalt  }
0x81: {  	_ =	shalt  }
0x82: {  	_ =	shalt  }
0x83: {  	_ =	shalt  }
0x84: {  	_ =	shalt  }
0x85: {  	_ =	shalt  }
0x86: {  	_ =	shalt  }
0x87: {  	_ =	shalt  }
.Lfunc_end0:
.L_simem_size_0:
called_computation_lowered:
.L_overlay_start_0:
0x88: {  	s2 =	sld [smem:$0x3FD9]  }
0x89: {  	s3 =	sld [smem:$0x3FFE];
	_ =	sdelay $0x1  }
0x8a: {  	s1 =	srdreg.scid  }
0x8b: {  	s0 =	sand.u32 $0x1, s1  }
0x8c: {  	s17 =	sshll.u32 s0, $0xA;
	s2 =	sadd.s32 s3, s2  }
0x8d: {  	s2 =	sadd.s32 s2, s17  }
0x8e: {  	[smem:$0x3FC7] =	sst s2  }
0x8f: {  	_ = 	snop  }
0x90: {  	s2 =	sld [smem:$0x3FD0];
	(tm) =	ssettm $0x1  }
0x91: {  	s18 =	sld [smem:$0x3FFB];
	_ =	sdelay $0x3  }
0x92: {  	_ =	strace s18  }
0x93: {  	s3 =	sld [smem:$0x3FFC];
	_ =	sdelay $0x3  }
0x94: {  	_ =	strace s3  }
0x95: {  	s3 =	sld [smem:$0x3FFD];
	_ =	sdelay $0x3  }
0x96: {  	_ =	strace s3  }
0x97: {  	_ =	strace $0x8FFFFFFF  }
0x98: {  	s19 =	sld [smem:$0x3FDB];
	_ =	sdelay $0x1  }
0x99: {  	s4 =	simm.s32 $_scs_section_size  }
0x9a: {  	s5 =	simm.s32 $_size__tile_overlayer_lowered;
	s6 =	simm.s32 $_tile_overlayer_lowered  }
0x9b: {  	s22 =	simm.s32 $0x1BFF;
	s21 =	sshll.u32 s6, $0x1;
	s3 =	sadd.s32 s4, s19  }
0x9c: {  	s7 =	simm.s32 $0x0;
	s20 =	sshll.u32 s5, $0x1;
	s5 =	sadd.s32 s21, s3  }
0x9d: {  	[timem:s7], [sflag:s22] =	dma.local [hbm:s5], s20  }
0x9e: {  	_ =	swait.ge [sflag:s22], s20  }
0x9f: {  	s4 =	ssub.s32 $0x0, s20;
	[sflag:s22] =	ssyncset.done $0x0  }
0xa0: {  	[sflag:s22] =	ssyncadd.s32 s4;
	_ =	sdelay $0x1  }
0xa1: {  	s23 =	simm.s32 $0x1B8B  }
0xa2: {  	_ =	swait.ge [sflag:s23], $0x1  }
0xa3: {  	[sflag:s23] =	ssyncset.done $0x0  }
0xa4: {  	s25 =	simm.s32 $0x1B8E;
	s24 =	sld [smem:$0x3FFE];
	[sflag:s23] =	ssyncadd.s32 $0xFFFFFFFF  }
0xa5: {  	s26 =	simm.s32 $execute0_lowered;
	[smem:$0x3FD2] =	sst s25  }
0xa6: {  	s5 =	sshll.u32 s26, $0x1;
	_ =	strace $0x80000046;
	[dreg:$0x1] =	wrdreg $0xFFFFFFFF  }
0xa7: {  	s28 =	simm.s32 $_size_execute0_lowered;
	s3 =	sadd.s32 s3, s5;
	[dreg:$0x0] =	wrdreg $0x0  }
0xa8: {  	s5 =	sshll.u32 s28, $0x1;
	[dreg:$0x2] =	wrdreg s3  }
0xa9: {  	[dreg:$0x3] =	wrdreg s5  }
0xaa: {  	[dreg:$0x4] =	wrdreg $0xC0  }
0xab: {  	_ =	task [dreg:s7], $0x5FFFF  }
0xac: {  	[dreg:$0x1] =	wrdreg $0xFFFFFFFF  }
0xad: {  	[dreg:$0x0] =	wrdreg $0x60  }
0xae: {  	[dreg:$0x2] =	wrdreg s24  }
0xaf: {  	[dreg:$0x3] =	wrdreg s2  }
0xb0: {  	[dreg:$0x4] =	wrdreg $0x9  }
0xb1: {  	_ =	task.clear_ibuf [dreg:s7], $0x5FFFF;
	_ =	strace $0x90000046  }
0xb2: {  	s29 =	simm.s32 $0x9;
	_ =	strace $0x80000048  }
0xb3: {  	_ =	swait.ge [sflag:s29], $0x1  }
0xb4: {  	[sflag:s29] =	ssyncadd.s32 $0xFFFFFFFF  }
0xb5: {  	_ =	strace $0x90000048  }
0xb6: {  	_ =	sfence  }
0xb7: {  	s30 =	sld [smem:$0x0];
	_ =	sdelay $0x2  }
0xb8: {  	s31 =	sshll.u32 s1, $0xD;
	s1 =	sshrl.u32 s1, $0x2  }
0xb9: {  	s3 =	sand.u32 $0x4000, s31;
	s1 =	sadd.s32 s1, s30  }
0xba: {  	s0 =	sor.u32 s3, s0;
	s1 =	sshll.u32 s1, $0x11  }
0xbb: {  	s0 =	sor.u32 s1, s0  }
0xbc: {  	s0 =	sadd.s32 $0x8F2B, s0  }
0xbd: {  	[sflag:s0] =	ssyncadd.remote.s32 $0x1  }
0xbe: {  	_ =	sfence.sel $0xFFFF  }
0xbf: {  	[dreg:$0x0] =	wrdreg $0xFFFFFFFF;
	(pc) =	sbr.abs _section_cstart, $3  }
0xc0: {  	[dreg:$0x1] =	wrdreg $0xFFFFFFFF  }
0xc1: {  	_ =	task.clear_ibuf [dreg:s7], $0x2FFFF;
	_ =	strace $0x9FFFFFFF  }
0xc2: {  	(tm) =	ssettm $0x7FFFFFFF  }
0xc3: {  	_ =	shalt  }
tec
execute0_lowered:
.L_overlay_start_1:
0x0: {  	(tag) =	ssettag $0x1  }
0x1: {  	s1 =	srdreg.scid;
	s0 =	stileid.u32;
	v16 =	vlaneseq.u32  }
0x2: {  	s31 =	rddreg [dreg:$0x0];
	v4 =	vimm.s32 $0x3;
	v5 =	vimm.s32 $0x7;
	v6 =	vimm.s32 $0x0;
	s3 =	sand.u32 $0x1, s1;
	s30 =	sshll.u32 s0, $0x1  }
0x3: {  	s6 =	rddreg [dreg:$0x1];
	vm0 =	vmmov $0x1;
	v8 =	vimm.s32 $0x1;
	v9 =	vimm.s32 $0x2;
	s4 =	sor.u32 s3, s30;
	s3 =	ssub.s32 $0x2, s3  }
0x4: {  	v10 =	vimm.s32 $0x4;
	v11 =	vimm.s32 $0x5;
	v12 =	vimm.s32 $0x6;
	s8 =	simm.s32 $0x0;
	s1 =	sshll.u32 s4, $0x6;
	s7 =	sshrl.u32 s3, $0x1  }
.Ltmp0:
0x5: {  	v13 =	vimm.s32 $0x8;
	v14 =	vimm.s32 $0x9;
	v15 =	vimm.s32 $0xA;
	s4 =	sshll.u32 s4, $0xA;
	s2 =	sor.u32 $0x10, s1;
	(pc) =	sbr.rel .LBB2_1-.Ltmp0, $4  }
0x6: {  	v7 =	vmul.u32 $0x8, v16;
	s5 =	sor.u32 $0x20, s1;
	v0 =	vor.u32 s1, v16;
	s1 =	sor.u32 $0x30, s1;
	s7 =	ssub.s32 s3, s7;
	v1 =	vor.u32 s2, v16  }
0x7: {  	s3 =	sadd.s32 $0x600, s31;
	v2 =	vor.u32 s5, v16;
	v3 =	vor.u32 s1, v16;
	s1 =	rddreg [dreg:$0x2];
	s2 =	simm.s32 $0x0;
	v16 =	vmul.u32 $0x80, v16  }
0x8: {  	v17 =	vimm.s32 $0xB;
	v18 =	vimm.s32 $0xC;
	v19 =	vimm.s32 $0xD;
	s4 =	sadd.s32 s6, s4;
	s6 =	simm.s32 $0x18080;
	[smem:$0x7FF] =	sst s2  }
0x9: {  	v20 =	vimm.s32 $0xE;
	v21 =	vimm.s32 $0xF;
	s5 =	smax.u32 s7, $0x1;
	s7 =	simm.s32 $0x19;
	_ =	strace $0x80000047;
	v22 =	vor.u32 $0x800, v16  }
.LBB2_7:
0xa: {  	s8 =	sadd.s32 $0x1, s8  }
0xb: {  	p0 =	sne.s32 s8, s5  }
.Ltmp1:
0xc: {  	_ = 	snop;
	(pc) =	sbr.rel @!p0 .LBB2_8-.Ltmp1, $4  }
0xd: {  	[hbm4b:s4+s2] =	stream.linear.scatter [tilespmem:s6], [sflag:$0x19], $0x2000, $0x38;
	[tilespmem:$0x1A080] =	vst v63  }
0xe: {  	_ =	swait.ge [sflag:s7], $0x2000  }
0xf: {  	[sflag:s7] =	ssyncset.done $0x0  }
0x10: {  	[sflag:s7] =	ssyncadd.s32 $0xFFFFE000  }
.LBB2_1:
0x11: {  	[tilespmem:$0x0] =	vst v0  }
0x12: {  	[tilespmem:$0x10] =	vst v1  }
0x13: {  	[tilespmem:$0x20] =	vst v2;
	s10 =	simm.s32 $0x1;
	s11 =	simm.s32 $0x10  }
0x14: {  	[tilespmem:$0x30] =	vst v3;
	s12 =	simm.s32 $0x0;
	s13 =	simm.s32 $0x0;
	s14 =	simm.s32 $0x0  }
.LBB2_2:
0x15: {  	s9 =	sshrl.u32 s14, $0x1  }
0x16: {  	s15 =	sshll.u32 s9, $0x8  }
0x17: {  	s15 =	ssub.s32 $0x0, s15  }
0x18: {  	s17 =	sshra.s32 s15, $0x2  }
0x19: {  	s15 =	sadd.s32 s17, s12  }
0x1a: {  	v23 =	vld [tilespmem:s15+$0x0];
	_ =	sdelay $0x4  }
0x1b: {  	v24 =	vshrl.u32 v23, $0x3  }
0x1c: {  	v24 =	vmul.u32 $0x1870, v24  }
0x1d: {  	v23 =	vand.u32 $0x7, v23  }
0x1e: {  	v23 =	vor.u32 v23, v24  }
0x1f: {  	v24 =	vperm.xlane v23, v6;
	_ =	sdelay $0x1  }
0x20: {  	s9 =	smul.u32 $0x61B, s9;
	v25 =	vperm.xlane v23, v8;
	v24 =	vadd.s32 v7, v24;
	_ =	sdelay $0x1  }
0x21: {  	s9 =	sadd.s32 $0x7, s9;
	v26 =	vperm.xlane v23, v9;
	v25 =	vadd.s32 v7, v25  }
0x22: {  	s9 =	sand.u32 $0xFF80, s9;
	s15 =	sshra.s32 s13, $0x2  }
0x23: {  	s16 =	sadd.s32 s3, s9;
	s9 =	simm.s32 $0x0;
	s18 =	sadd.s32 $0x80, s15;
	v27 =	vperm.xlane v23, v4;
	v26 =	vadd.s32 v7, v26  }
0x24: {  	[tilespmem:s18], [sflag:s10] =	stream.indirect_vreg.gather [hbm4b:s16+s9], $0x80, v24, vm0, $0xb8;
	[tilespmem:$0x1A080] =	vst v63  }
0x25: {  	s26 =	sadd.s32 $0x100, s15;
	v49 =	vperm.xlane v23, v10;
	v48 =	vadd.s32 v7, v27  }
0x26: {  	[tilespmem:s26], [sflag:s10] =	stream.indirect_vreg.gather [hbm4b:s16+s9], $0x80, v25, vm0, $0xb8;
	[tilespmem:$0x1A080] =	vst v63  }
0x27: {  	s28 =	sadd.s32 $0x180, s15;
	v51 =	vperm.xlane v23, v11;
	v50 =	vadd.s32 v7, v49  }
0x28: {  	[tilespmem:s28], [sflag:s10] =	stream.indirect_vreg.gather [hbm4b:s16+s9], $0x80, v26, vm0, $0xb8;
	[tilespmem:$0x1A080] =	vst v63  }
0x29: {  	s29 =	sadd.s32 $0x200, s15;
	v53 =	vperm.xlane v23, v12;
	v52 =	vadd.s32 v7, v51  }
0x2a: {  	[tilespmem:s29], [sflag:s10] =	stream.indirect_vreg.gather [hbm4b:s16+s9], $0x80, v48, vm0, $0xb8;
	[tilespmem:$0x1A080] =	vst v63  }
0x2b: {  	s30 =	sadd.s32 $0x280, s15;
	v55 =	vperm.xlane v23, v5;
	v54 =	vadd.s32 v7, v53  }
0x2c: {  	[tilespmem:s30], [sflag:s10] =	stream.indirect_vreg.gather [hbm4b:s16+s9], $0x80, v50, vm0, $0xb8;
	[tilespmem:$0x1A080] =	vst v63  }
0x2d: {  	s31 =	sadd.s32 $0x300, s15;
	v57 =	vperm.xlane v23, v13;
	v56 =	vadd.s32 v7, v55  }
0x2e: {  	[tilespmem:s31], [sflag:s10] =	stream.indirect_vreg.gather [hbm4b:s16+s9], $0x80, v52, vm0, $0xb8;
	[tilespmem:$0x1A080] =	vst v63  }
0x2f: {  	s19 =	sadd.s32 $0x380, s15;
	v59 =	vperm.xlane v23, v14;
	v58 =	vadd.s32 v7, v57  }
0x30: {  	[tilespmem:s19], [sflag:s10] =	stream.indirect_vreg.gather [hbm4b:s16+s9], $0x80, v54, vm0, $0xb8;
	[tilespmem:$0x1A080] =	vst v63  }
0x31: {  	s20 =	sadd.s32 $0x400, s15;
	v61 =	vperm.xlane v23, v15;
	v60 =	vadd.s32 v7, v59  }
0x32: {  	[tilespmem:s20], [sflag:s10] =	stream.indirect_vreg.gather [hbm4b:s16+s9], $0x80, v56, vm0, $0xb8;
	[tilespmem:$0x1A080] =	vst v63  }
0x33: {  	s21 =	sadd.s32 $0x480, s15;
	v63 =	vperm.xlane v23, v17;
	v62 =	vadd.s32 v7, v61  }
0x34: {  	[tilespmem:s21], [sflag:s10] =	stream.indirect_vreg.gather [hbm4b:s16+s9], $0x80, v58, vm0, $0xb8;
	[tilespmem:$0x1A080] =	vst v63  }
0x35: {  	s22 =	sadd.s32 $0x500, s15;
	v31 =	vperm.xlane v23, v18;
	v30 =	vadd.s32 v7, v63  }
0x36: {  	[tilespmem:s22], [sflag:s10] =	stream.indirect_vreg.gather [hbm4b:s16+s9], $0x80, v60, vm0, $0xb8;
	[tilespmem:$0x1A080] =	vst v63  }
0x37: {  	s23 =	sadd.s32 $0x580, s15;
	v33 =	vperm.xlane v23, v19;
	v32 =	vadd.s32 v7, v31  }
0x38: {  	[tilespmem:s23], [sflag:s10] =	stream.indirect_vreg.gather [hbm4b:s16+s9], $0x80, v62, vm0, $0xb8;
	[tilespmem:$0x1A080] =	vst v63  }
0x39: {  	s24 =	sadd.s32 $0x600, s15;
	v35 =	vperm.xlane v23, v20;
	v34 =	vadd.s32 v7, v33  }
0x3a: {  	[tilespmem:s24], [sflag:s10] =	stream.indirect_vreg.gather [hbm4b:s16+s9], $0x80, v30, vm0, $0xb8;
	[tilespmem:$0x1A080] =	vst v63  }
0x3b: {  	s25 =	sadd.s32 $0x680, s15;
	v23 =	vperm.xlane v23, v21;
	v36 =	vadd.s32 v7, v35  }
0x3c: {  	[tilespmem:s25], [sflag:s10] =	stream.indirect_vreg.gather [hbm4b:s16+s9], $0x80, v32, vm0, $0xb8;
	[tilespmem:$0x1A080] =	vst v63  }
0x3d: {  	v23 =	vadd.s32 v7, v23;
	s26 =	sadd.s32 $0x700, s15  }
0x3e: {  	[tilespmem:s26], [sflag:s10] =	stream.indirect_vreg.gather [hbm4b:s16+s9], $0x80, v34, vm0, $0xb8;
	[tilespmem:$0x1A080] =	vst v63  }
0x3f: {  	s28 =	sadd.s32 $0x780, s15  }
0x40: {  	[tilespmem:s28], [sflag:s10] =	stream.indirect_vreg.gather [hbm4b:s16+s9], $0x80, v36, vm0, $0xb8;
	[tilespmem:$0x1A080] =	vst v63  }
0x41: {  	s17 =	sadd.s32 s17, s11;
	s29 =	sadd.s32 $0x800, s15  }
0x42: {  	[tilespmem:s29], [sflag:s10] =	stream.indirect_vreg.gather [hbm4b:s16+s9], $0x80, v23, vm0, $0xb8;
	[tilespmem:$0x1A080] =	vst v63  }
0x43: {  	v23 =	vld [tilespmem:s17+$0x0];
	_ =	sdelay $0x4  }
0x44: {  	v37 =	vshrl.u32 v23, $0x3  }
0x45: {  	v24 =	vmul.u32 $0x1870, v37  }
0x46: {  	v23 =	vand.u32 $0x7, v23  }
0x47: {  	v23 =	vor.u32 v23, v24  }
0x48: {  	v24 =	vperm.xlane v23, v6;
	_ =	sdelay $0x1  }
0x49: {  	v38 =	vperm.xlane v23, v8;
	v24 =	vadd.s32 v7, v24;
	_ =	sdelay $0x1  }
0x4a: {  	v39 =	vperm.xlane v23, v9;
	v25 =	vadd.s32 v7, v38;
	_ =	sdelay $0x1  }
0x4b: {  	s30 =	sadd.s32 $0x880, s15;
	v40 =	vperm.xlane v23, v4;
	v26 =	vadd.s32 v7, v39  }
0x4c: {  	[tilespmem:s30], [sflag:s10] =	stream.indirect_vreg.gather [hbm4b:s16+s9], $0x80, v24, vm0, $0xb8;
	[tilespmem:$0x1A080] =	vst v63  }
0x4d: {  	s31 =	sadd.s32 $0x900, s15;
	v42 =	vperm.xlane v23, v10;
	v41 =	vadd.s32 v7, v40  }
0x4e: {  	[tilespmem:s31], [sflag:s10] =	stream.indirect_vreg.gather [hbm4b:s16+s9], $0x80, v25, vm0, $0xb8;
	[tilespmem:$0x1A080] =	vst v63  }
0x4f: {  	s18 =	sadd.s32 $0x980, s15;
	v44 =	vperm.xlane v23, v11;
	v43 =	vadd.s32 v7, v42  }
0x50: {  	[tilespmem:s18], [sflag:s10] =	stream.indirect_vreg.gather [hbm4b:s16+s9], $0x80, v26, vm0, $0xb8;
	[tilespmem:$0x1A080] =	vst v63  }
0x51: {  	s19 =	sadd.s32 $0xA00, s15;
	v46 =	vperm.xlane v23, v12;
	v45 =	vadd.s32 v7, v44  }
0x52: {  	[tilespmem:s19], [sflag:s10] =	stream.indirect_vreg.gather [hbm4b:s16+s9], $0x80, v41, vm0, $0xb8;
	[tilespmem:$0x1A080] =	vst v63  }
0x53: {  	s20 =	sadd.s32 $0xA80, s15;
	v48 =	vperm.xlane v23, v5;
	v47 =	vadd.s32 v7, v46  }
0x54: {  	[tilespmem:s20], [sflag:s10] =	stream.indirect_vreg.gather [hbm4b:s16+s9], $0x80, v43, vm0, $0xb8;
	[tilespmem:$0x1A080] =	vst v63  }
0x55: {  	s21 =	sadd.s32 $0xB00, s15;
	v50 =	vperm.xlane v23, v13;
	v49 =	vadd.s32 v7, v48  }
0x56: {  	[tilespmem:s21], [sflag:s10] =	stream.indirect_vreg.gather [hbm4b:s16+s9], $0x80, v45, vm0, $0xb8;
	[tilespmem:$0x1A080] =	vst v63  }
0x57: {  	s22 =	sadd.s32 $0xB80, s15;
	v52 =	vperm.xlane v23, v14;
	v51 =	vadd.s32 v7, v50  }
0x58: {  	[tilespmem:s22], [sflag:s10] =	stream.indirect_vreg.gather [hbm4b:s16+s9], $0x80, v47, vm0, $0xb8;
	[tilespmem:$0x1A080] =	vst v63  }
0x59: {  	s23 =	sadd.s32 $0xC00, s15;
	v54 =	vperm.xlane v23, v15;
	v53 =	vadd.s32 v7, v52  }
0x5a: {  	[tilespmem:s23], [sflag:s10] =	stream.indirect_vreg.gather [hbm4b:s16+s9], $0x80, v49, vm0, $0xb8;
	[tilespmem:$0x1A080] =	vst v63  }
0x5b: {  	s24 =	sadd.s32 $0xC80, s15;
	v56 =	vperm.xlane v23, v17;
	v55 =	vadd.s32 v7, v54  }
0x5c: {  	[tilespmem:s24], [sflag:s10] =	stream.indirect_vreg.gather [hbm4b:s16+s9], $0x80, v51, vm0, $0xb8;
	[tilespmem:$0x1A080] =	vst v63  }
0x5d: {  	s25 =	sadd.s32 $0xD00, s15;
	v58 =	vperm.xlane v23, v18;
	v57 =	vadd.s32 v7, v56  }
0x5e: {  	[tilespmem:s25], [sflag:s10] =	stream.indirect_vreg.gather [hbm4b:s16+s9], $0x80, v53, vm0, $0xb8;
	[tilespmem:$0x1A080] =	vst v63  }
0x5f: {  	s26 =	sadd.s32 $0xD80, s15;
	v60 =	vperm.xlane v23, v19;
	v59 =	vadd.s32 v7, v58  }
0x60: {  	[tilespmem:s26], [sflag:s10] =	stream.indirect_vreg.gather [hbm4b:s16+s9], $0x80, v55, vm0, $0xb8;
	[tilespmem:$0x1A080] =	vst v63  }
0x61: {  	s28 =	sadd.s32 $0xE00, s15;
	v62 =	vperm.xlane v23, v20;
	v61 =	vadd.s32 v7, v60  }
0x62: {  	[tilespmem:s28], [sflag:s10] =	stream.indirect_vreg.gather [hbm4b:s16+s9], $0x80, v57, vm0, $0xb8;
	[tilespmem:$0x1A080] =	vst v63  }
0x63: {  	s29 =	sadd.s32 $0xE80, s15;
	v23 =	vperm.xlane v23, v21;
	v63 =	vadd.s32 v7, v62  }
0x64: {  	[tilespmem:s29], [sflag:s10] =	stream.indirect_vreg.gather [hbm4b:s16+s9], $0x80, v59, vm0, $0xb8;
	[tilespmem:$0x1A080] =	vst v63  }
0x65: {  	p0 =	sne.s32 s13, $0x5C000;
	v23 =	vadd.s32 v7, v23;
	s30 =	sadd.s32 $0xF00, s15  }
0x66: {  	[tilespmem:s30], [sflag:s10] =	stream.indirect_vreg.gather [hbm4b:s16+s9], $0x80, v61, vm0, $0xb8;
	[tilespmem:$0x1A080] =	vst v63  }
.Ltmp2:
0x67: {  	s31 =	sadd.s32 $0xF80, s15;
	(pc) =	sbr.rel @p0 .LBB2_2-.Ltmp2, $4  }
0x68: {  	[tilespmem:s31], [sflag:s10] =	stream.indirect_vreg.gather [hbm4b:s16+s9], $0x80, v63, vm0, $0xb8;
	[tilespmem:$0x1A080] =	vst v63  }
0x69: {  	s14 =	sadd.s32 $0x1, s14;
	s11 =	sadd.s32 $0x20, s11;
	s15 =	sadd.s32 $0x1000, s15  }
0x6a: {  	[tilespmem:s15], [sflag:s10] =	stream.indirect_vreg.gather [hbm4b:s16+s9], $0x80, v23, vm0, $0xb8;
	[tilespmem:$0x1A080] =	vst v63  }
0x6b: {  	s12 =	sadd.s32 $0x20, s12;
	s13 =	sadd.s32 $0x4000, s13;
	s10 =	sadd.s32 $0x1, s10  }
.Ltmp3:
0x6c: {  	(pc) =	sbr.rel .LBB2_4-.Ltmp3, $3  }
0x6d: {  	_ =	sdelay $0x1  }
0x6e: {  	s10 =	simm.s32 $0x310  }
0x6f: {  	s11 =	simm.s32 $0x18;
	s12 =	simm.s32 $0x300;
	s13 =	simm.s32 $0x0  }
.LBB2_6:
0x70: {  	s13 =	sadd.s32 $0x1, s13  }
0x71: {  	p0 =	sne.s32 s13, $0x80  }
.Ltmp4:
0x72: {  	_ = 	snop;
	(pc) =	sbr.rel @!p0 .LBB2_7-.Ltmp4, $3  }
0x73: {  	_ =	sdelay $0x1  }
0x74: {  	s10 =	sadd.s32 $0x20, s10  }
0x75: {  	s11 =	sadd.s32 $0x1, s11;
	s12 =	sadd.s32 $0x20, s12;
	s9 =	sadd.s32 $0x20, s9  }
.LBB2_4:
0x76: {  	s14 =	smul.u32 $0xAB, s13;
	_ =	sdelay $0x1  }
0x77: {  	s16 =	sshrl.u32 s13, $0x1;
	s14 =	sshrl.u32 s14, $0xC  }
0x78: {  	s15 =	smul.u32 $0x1B, s16;
	s14 =	sand.u32 $0xF, s14  }
0x79: {  	s14 =	smul.u32 $0x18, s14  }
0x7a: {  	s15 =	sadd.s32 $0x7, s15  }
0x7b: {  	s17 =	sand.u32 $0x7F, s15;
	s14 =	ssub.s32 s13, s14  }
0x7c: {  	v23 =	vor.u32 s17, v16;
	s30 =	sand.u32 $0xFF, s14  }
0x7d: {  	s14 =	sadd.s32 $0x1, s30  }
0x7e: {  	_ =	swait.ge [sflag:s14], $0x1000  }
0x7f: {  	s15 =	sshll.u32 s30, $0xC;
	[sflag:s14] =	ssyncset.done $0x0  }
0x80: {  	s18 =	sor.u32 $0x80, s15;
	[sflag:s14] =	ssyncadd.s32 $0xFFFFF000  }
0x81: {  	s16 =	sshll.u32 s16, $0x6;
	v23 =	vld.idx.msk [tilespmem:v23+s18+$0x0], $0xffff  }
0x82: {  	s19 =	sshll.u32 s13, $0x6;
	s16 =	ssub.s32 s9, s16;
	v24 =	vor.u32 s17, v22  }
0x83: {  	s19 =	sand.u32 $0x3FFFFF80, s19;
	s31 =	sand.u32 $0xFFFFFF80, s16  }
0x84: {  	s16 =	sand.u32 $0x60, s16;
	s17 =	sadd.s32 s31, s19  }
0x85: {  	s16 =	sor.u32 s16, s17  }
0x86: {  	[tilespmem:s16+$0x18080] =	vst v23  }
0x87: {  	p0 =	sgt.u32 s13, $0x67;
	v23 =	vld.idx.msk [tilespmem:v24+s18+$0x0], $0xffff  }
.Ltmp5:
0x88: {  	_ = 	snop;
	(pc) =	sbr.rel @p0 .LBB2_6-.Ltmp5, $3  }
0x89: {  	_ =	sdelay $0x1  }
0x8a: {  	s16 =	sadd.s32 $0x18080, s16  }
0x8b: {  	[tilespmem:s16+$0x10] =	vst v23  }
0x8c: {  	s16 =	sshll.u32 s11, $0x7  }
0x8d: {  	s16 =	sand.u32 $0xFFFFFF00, s16  }
0x8e: {  	s16 =	ssub.s32 $0x0, s16  }
0x8f: {  	s17 =	sshra.s32 s16, $0x2  }
0x90: {  	s16 =	sadd.s32 s17, s12  }
0x91: {  	v23 =	vld [tilespmem:s16+$0x0];
	_ =	sdelay $0x4  }
0x92: {  	v24 =	vshrl.u32 v23, $0x3  }
0x93: {  	v24 =	vmul.u32 $0x1870, v24  }
0x94: {  	v23 =	vand.u32 $0x7, v23  }
0x95: {  	v23 =	vor.u32 v23, v24  }
0x96: {  	s24 =	sadd.s32 $0x18, s13;
	v24 =	vperm.xlane v23, v6  }
0x97: {  	s16 =	sshrl.u32 s24, $0x1  }
0x98: {  	s16 =	smul.u32 $0x61B, s16;
	v25 =	vperm.xlane v23, v8;
	v24 =	vadd.s32 v7, v24;
	_ =	sdelay $0x1  }
0x99: {  	s16 =	sadd.s32 $0x7, s16;
	v26 =	vperm.xlane v23, v9;
	v25 =	vadd.s32 v7, v25  }
0x9a: {  	s16 =	sand.u32 $0x7FF80, s16  }
0x9b: {  	s16 =	sadd.s32 s3, s16;
	v27 =	vperm.xlane v23, v4;
	v26 =	vadd.s32 v7, v26  }
0x9c: {  	[tilespmem:s18], [sflag:s14] =	stream.indirect_vreg.gather [hbm4b:s16+s2], $0x80, v24, vm0, $0xb8;
	[tilespmem:$0x1A080] =	vst v63  }
0x9d: {  	s25 =	sadd.s32 $0x100, s15;
	v49 =	vperm.xlane v23, v10;
	v48 =	vadd.s32 v7, v27  }
0x9e: {  	[tilespmem:s25], [sflag:s14] =	stream.indirect_vreg.gather [hbm4b:s16+s2], $0x80, v25, vm0, $0xb8;
	[tilespmem:$0x1A080] =	vst v63  }
0x9f: {  	s26 =	sadd.s32 $0x180, s15;
	v51 =	vperm.xlane v23, v11;
	v50 =	vadd.s32 v7, v49  }
0xa0: {  	[tilespmem:s26], [sflag:s14] =	stream.indirect_vreg.gather [hbm4b:s16+s2], $0x80, v26, vm0, $0xb8;
	[tilespmem:$0x1A080] =	vst v63  }
0xa1: {  	s28 =	sadd.s32 $0x200, s15;
	v53 =	vperm.xlane v23, v12;
	v52 =	vadd.s32 v7, v51  }
0xa2: {  	[tilespmem:s28], [sflag:s14] =	stream.indirect_vreg.gather [hbm4b:s16+s2], $0x80, v48, vm0, $0xb8;
	[tilespmem:$0x1A080] =	vst v63  }
0xa3: {  	s29 =	sadd.s32 $0x280, s15;
	v55 =	vperm.xlane v23, v5;
	v54 =	vadd.s32 v7, v53  }
0xa4: {  	[tilespmem:s29], [sflag:s14] =	stream.indirect_vreg.gather [hbm4b:s16+s2], $0x80, v50, vm0, $0xb8;
	[tilespmem:$0x1A080] =	vst v63  }
0xa5: {  	s30 =	sadd.s32 $0x300, s15;
	v57 =	vperm.xlane v23, v13;
	v56 =	vadd.s32 v7, v55  }
0xa6: {  	[tilespmem:s30], [sflag:s14] =	stream.indirect_vreg.gather [hbm4b:s16+s2], $0x80, v52, vm0, $0xb8;
	[tilespmem:$0x1A080] =	vst v63  }
0xa7: {  	s31 =	sadd.s32 $0x380, s15;
	v59 =	vperm.xlane v23, v14;
	v58 =	vadd.s32 v7, v57  }
0xa8: {  	[tilespmem:s31], [sflag:s14] =	stream.indirect_vreg.gather [hbm4b:s16+s2], $0x80, v54, vm0, $0xb8;
	[tilespmem:$0x1A080] =	vst v63  }
0xa9: {  	s19 =	sadd.s32 $0x400, s15;
	v61 =	vperm.xlane v23, v15;
	v60 =	vadd.s32 v7, v59  }
0xaa: {  	[tilespmem:s19], [sflag:s14] =	stream.indirect_vreg.gather [hbm4b:s16+s2], $0x80, v56, vm0, $0xb8;
	[tilespmem:$0x1A080] =	vst v63  }
0xab: {  	s20 =	sadd.s32 $0x480, s15;
	v63 =	vperm.xlane v23, v17;
	v62 =	vadd.s32 v7, v61  }
0xac: {  	[tilespmem:s20], [sflag:s14] =	stream.indirect_vreg.gather [hbm4b:s16+s2], $0x80, v58, vm0, $0xb8;
	[tilespmem:$0x1A080] =	vst v63  }
0xad: {  	s21 =	sadd.s32 $0x500, s15;
	v31 =	vperm.xlane v23, v18;
	v30 =	vadd.s32 v7, v63  }
0xae: {  	[tilespmem:s21], [sflag:s14] =	stream.indirect_vreg.gather [hbm4b:s16+s2], $0x80, v60, vm0, $0xb8;
	[tilespmem:$0x1A080] =	vst v63  }
0xaf: {  	s22 =	sadd.s32 $0x580, s15;
	v33 =	vperm.xlane v23, v19;
	v32 =	vadd.s32 v7, v31  }
0xb0: {  	[tilespmem:s22], [sflag:s14] =	stream.indirect_vreg.gather [hbm4b:s16+s2], $0x80, v62, vm0, $0xb8;
	[tilespmem:$0x1A080] =	vst v63  }
0xb1: {  	s23 =	sadd.s32 $0x600, s15;
	v35 =	vperm.xlane v23, v20;
	v34 =	vadd.s32 v7, v33  }
0xb2: {  	[tilespmem:s23], [sflag:s14] =	stream.indirect_vreg.gather [hbm4b:s16+s2], $0x80, v30, vm0, $0xb8;
	[tilespmem:$0x1A080] =	vst v63  }
0xb3: {  	s24 =	sadd.s32 $0x680, s15;
	v23 =	vperm.xlane v23, v21;
	v36 =	vadd.s32 v7, v35  }
0xb4: {  	[tilespmem:s24], [sflag:s14] =	stream.indirect_vreg.gather [hbm4b:s16+s2], $0x80, v32, vm0, $0xb8;
	[tilespmem:$0x1A080] =	vst v63  }
0xb5: {  	v23 =	vadd.s32 v7, v23;
	s25 =	sadd.s32 $0x700, s15  }
0xb6: {  	[tilespmem:s25], [sflag:s14] =	stream.indirect_vreg.gather [hbm4b:s16+s2], $0x80, v34, vm0, $0xb8;
	[tilespmem:$0x1A080] =	vst v63  }
0xb7: {  	s26 =	sadd.s32 $0x780, s15  }
0xb8: {  	[tilespmem:s26], [sflag:s14] =	stream.indirect_vreg.gather [hbm4b:s16+s2], $0x80, v36, vm0, $0xb8;
	[tilespmem:$0x1A080] =	vst v63  }
0xb9: {  	s17 =	sadd.s32 s17, s10;
	s28 =	sadd.s32 $0x800, s15  }
0xba: {  	[tilespmem:s28], [sflag:s14] =	stream.indirect_vreg.gather [hbm4b:s16+s2], $0x80, v23, vm0, $0xb8;
	[tilespmem:$0x1A080] =	vst v63  }
0xbb: {  	v23 =	vld [tilespmem:s17+$0x0];
	_ =	sdelay $0x4  }
0xbc: {  	v37 =	vshrl.u32 v23, $0x3  }
0xbd: {  	v24 =	vmul.u32 $0x1870, v37  }
0xbe: {  	v23 =	vand.u32 $0x7, v23  }
0xbf: {  	v23 =	vor.u32 v23, v24  }
0xc0: {  	v24 =	vperm.xlane v23, v6;
	_ =	sdelay $0x1  }
0xc1: {  	v38 =	vperm.xlane v23, v8;
	v24 =	vadd.s32 v7, v24;
	_ =	sdelay $0x1  }
0xc2: {  	v39 =	vperm.xlane v23, v9;
	v25 =	vadd.s32 v7, v38;
	_ =	sdelay $0x1  }
0xc3: {  	s29 =	sadd.s32 $0x880, s15;
	v40 =	vperm.xlane v23, v4;
	v26 =	vadd.s32 v7, v39  }
0xc4: {  	[tilespmem:s29], [sflag:s14] =	stream.indirect_vreg.gather [hbm4b:s16+s2], $0x80, v24, vm0, $0xb8;
	[tilespmem:$0x1A080] =	vst v63  }
0xc5: {  	s30 =	sadd.s32 $0x900, s15;
	v42 =	vperm.xlane v23, v10;
	v41 =	vadd.s32 v7, v40  }
0xc6: {  	[tilespmem:s30], [sflag:s14] =	stream.indirect_vreg.gather [hbm4b:s16+s2], $0x80, v25, vm0, $0xb8;
	[tilespmem:$0x1A080] =	vst v63  }
0xc7: {  	s31 =	sadd.s32 $0x980, s15;
	v44 =	vperm.xlane v23, v11;
	v43 =	vadd.s32 v7, v42  }
0xc8: {  	[tilespmem:s31], [sflag:s14] =	stream.indirect_vreg.gather [hbm4b:s16+s2], $0x80, v26, vm0, $0xb8;
	[tilespmem:$0x1A080] =	vst v63  }
0xc9: {  	s18 =	sadd.s32 $0xA00, s15;
	v46 =	vperm.xlane v23, v12;
	v45 =	vadd.s32 v7, v44  }
0xca: {  	[tilespmem:s18], [sflag:s14] =	stream.indirect_vreg.gather [hbm4b:s16+s2], $0x80, v41, vm0, $0xb8;
	[tilespmem:$0x1A080] =	vst v63  }
0xcb: {  	s19 =	sadd.s32 $0xA80, s15;
	v48 =	vperm.xlane v23, v5;
	v47 =	vadd.s32 v7, v46  }
0xcc: {  	[tilespmem:s19], [sflag:s14] =	stream.indirect_vreg.gather [hbm4b:s16+s2], $0x80, v43, vm0, $0xb8;
	[tilespmem:$0x1A080] =	vst v63  }
0xcd: {  	s20 =	sadd.s32 $0xB00, s15;
	v50 =	vperm.xlane v23, v13;
	v49 =	vadd.s32 v7, v48  }
0xce: {  	[tilespmem:s20], [sflag:s14] =	stream.indirect_vreg.gather [hbm4b:s16+s2], $0x80, v45, vm0, $0xb8;
	[tilespmem:$0x1A080] =	vst v63  }
0xcf: {  	s21 =	sadd.s32 $0xB80, s15;
	v52 =	vperm.xlane v23, v14;
	v51 =	vadd.s32 v7, v50  }
0xd0: {  	[tilespmem:s21], [sflag:s14] =	stream.indirect_vreg.gather [hbm4b:s16+s2], $0x80, v47, vm0, $0xb8;
	[tilespmem:$0x1A080] =	vst v63  }
0xd1: {  	s22 =	sadd.s32 $0xC00, s15;
	v54 =	vperm.xlane v23, v15;
	v53 =	vadd.s32 v7, v52  }
0xd2: {  	[tilespmem:s22], [sflag:s14] =	stream.indirect_vreg.gather [hbm4b:s16+s2], $0x80, v49, vm0, $0xb8;
	[tilespmem:$0x1A080] =	vst v63  }
0xd3: {  	s23 =	sadd.s32 $0xC80, s15;
	v56 =	vperm.xlane v23, v17;
	v55 =	vadd.s32 v7, v54  }
0xd4: {  	[tilespmem:s23], [sflag:s14] =	stream.indirect_vreg.gather [hbm4b:s16+s2], $0x80, v51, vm0, $0xb8;
	[tilespmem:$0x1A080] =	vst v63  }
0xd5: {  	s24 =	sadd.s32 $0xD00, s15;
	v58 =	vperm.xlane v23, v18;
	v57 =	vadd.s32 v7, v56  }
0xd6: {  	[tilespmem:s24], [sflag:s14] =	stream.indirect_vreg.gather [hbm4b:s16+s2], $0x80, v53, vm0, $0xb8;
	[tilespmem:$0x1A080] =	vst v63  }
0xd7: {  	s25 =	sadd.s32 $0xD80, s15;
	v60 =	vperm.xlane v23, v19;
	v59 =	vadd.s32 v7, v58  }
0xd8: {  	[tilespmem:s25], [sflag:s14] =	stream.indirect_vreg.gather [hbm4b:s16+s2], $0x80, v55, vm0, $0xb8;
	[tilespmem:$0x1A080] =	vst v63  }
0xd9: {  	s26 =	sadd.s32 $0xE00, s15;
	v61 =	vadd.s32 v7, v60  }
0xda: {  	v62 =	vperm.xlane v23, v20;
	[tilespmem:s26], [sflag:s14] =	stream.indirect_vreg.gather [hbm4b:s16+s2], $0x80, v57, vm0, $0xb8;
	[tilespmem:$0x1A080] =	vst v63  }
0xdb: {  	s28 =	sadd.s32 $0xE80, s15  }
0xdc: {  	v23 =	vperm.xlane v23, v21;
	v63 =	vadd.s32 v7, v62;
	[tilespmem:s28], [sflag:s14] =	stream.indirect_vreg.gather [hbm4b:s16+s2], $0x80, v59, vm0, $0xb8;
	[tilespmem:$0x1A080] =	vst v63  }
0xdd: {  	s29 =	sadd.s32 $0xF00, s15  }
0xde: {  	v23 =	vadd.s32 v7, v23;
	[tilespmem:s29], [sflag:s14] =	stream.indirect_vreg.gather [hbm4b:s16+s2], $0x80, v61, vm0, $0xb8;
	[tilespmem:$0x1A080] =	vst v63  }
.Ltmp6:
0xdf: {  	_ = 	snop;
	(pc) =	sbr.rel .LBB2_6-.Ltmp6, $4  }
0xe0: {  	s30 =	sadd.s32 $0xF80, s15  }
0xe1: {  	[tilespmem:s30], [sflag:s14] =	stream.indirect_vreg.gather [hbm4b:s16+s2], $0x80, v63, vm0, $0xb8;
	[tilespmem:$0x1A080] =	vst v63  }
0xe2: {  	s31 =	sadd.s32 $0x1000, s15  }
0xe3: {  	[tilespmem:s31], [sflag:s14] =	stream.indirect_vreg.gather [hbm4b:s16+s2], $0x80, v23, vm0, $0xb8;
	[tilespmem:$0x1A080] =	vst v63  }
.LBB2_8:
0xe4: {  	_ =	sfence.sel $0x180000  }
0xe5: {  	[bflag:$0x0] =	sbarrier.arrive $0xFFFF  }
0xe6: {  	p0 =	sne.s32 s0, $0x0;
	_ =	strace $0x90000047  }
0xe7: {  	s0 =	sadd.s32 @!p0 $0x100000, s1;
	[bflag:$0x2] =	sbarrier.arrive $0xFFFF  }
0xe8: {  	[sflag:s0] =	ssyncadd.tile.s32 @!p0 $0x1;
	_ =	shalt  }
.Lfunc_end2:
_tile_overlayer_lowered:
.L_overlay_start_2:
0xe9: {  	(tag) =	ssettag $0x2  }
0xea: {  	s0 =	rddreg [dreg:$0x0];
	s2 =	stileid.u32  }
0xeb: {  	s1 =	rddreg [dreg:$0x1];
	p0 =	sne.s32 s2, $0x0  }
0xec: {  	s3 =	rddreg [dreg:$0x2];
	[bflag:$0x3] =	sbarrier.arrive $0xFFFF;
	s2 =	simm.s32 @!p0 $0x1C19  }
0xed: {  	[timem:s3], [sflag:s2] =	dma.local @!p0 [hbm:s0], s1  }
0xee: {  	s0 =	simm.s32 @!p0 $0x19  }
0xef: {  	_ =	swait.ge @!p0 [sflag:s0], s1  }
0xf0: {  	s1 =	ssub.s32 @!p0 $0x0, s1;
	[sflag:s0] =	ssyncset.done @!p0 $0x0  }
0xf1: {  	[sflag:s0] =	ssyncadd.s32 @!p0 s1  }
0xf2: {  	[bflag:$0x3] =	sbarrier.arrive $0xFFFF  }
0xf3: {  	_ =	shalt  }

</sc_bundles>
